<compile_context>
chip_gen: v7x
topology: tpu7x:2x2x1
jax: 0.10.2.dev20260603
libtpu: 0.0.44.dev20260713+nightly
codegen_flags: <defaults>
</compile_context>

<pallas_src>
import jax
import jax.numpy as jnp
from jax import lax
from jax.experimental import pallas as pl
from jax.experimental.pallas import tpu as pltpu
from jax.experimental.pallas import tpu_sc as plsc

_W = 128
_NBUF = 5
_GD = 4
_NC, _NS = 2, 16


def kernel(x, vocab):
    B, S = x.shape
    V, D = vocab.shape
    N = B * S
    NW = _NC * _NS
    CH = S
    assert B == NW * _W and CH % _NBUF == 0 and CH >= 2 * _NBUF

    xt = jnp.transpose(x).astype(jnp.int32)
    mesh = plsc.VectorSubcoreMesh(core_axis_name="core", subcore_axis_name="subcore")

    @pl.kernel(
        out_type=jax.ShapeDtypeStruct((N, D), vocab.dtype),
        mesh=mesh,
        compiler_params=pltpu.CompilerParams(use_tc_tiling_on_sc=True),
        scratch_types=[
            pltpu.VMEM((CH, _W), jnp.int32),
            pltpu.VMEM((_NBUF, _W, D), jnp.float32),
            pltpu.SemaphoreType.DMA,
            pltpu.SemaphoreType.DMA((_NBUF,)),
            pltpu.SemaphoreType.DMA((_NBUF,)),
        ],
    )
    def gather_kernel(vocab_hbm, idx_hbm, out_hbm, idxbuf, rows, isem, gsem, osem):
        c = lax.axis_index("core")
        s = lax.axis_index("subcore")
        wid = s * _NC + c
        col = pl.multiple_of(wid * _W, _W)

        pltpu.async_copy(idx_hbm.at[:, pl.ds(col, _W)], idxbuf, isem).wait()

        def start_gather(j, b):
            pltpu.async_copy(vocab_hbm.at[idxbuf.at[j]], rows.at[b], gsem.at[b])

        def wait_gather(j, b):
            pltpu.make_async_copy(
                vocab_hbm.at[idxbuf.at[j]], rows.at[b], gsem.at[b]
            ).wait()

        def out_slice(j):
            off = pl.multiple_of(j * B + col, _W)
            return out_hbm.at[pl.ds(off, _W)]

        def start_out(j, b):
            pltpu.async_copy(rows.at[b], out_slice(j), osem.at[b])

        def wait_out(j, b):
            pltpu.make_async_copy(rows.at[b], out_slice(j), osem.at[b]).wait()

        for j in range(_GD):
            start_gather(j, j)
        for j in range(_NBUF):
            b = j
            bn = (b + _GD) % _NBUF
            if j >= _NBUF - _GD:
                wait_out(j - (_NBUF - _GD), bn)
            start_gather(j + _GD, bn)
            wait_gather(j, b)
            start_out(j, b)

        @pl.loop(_NBUF, CH - _NBUF, step=_NBUF)
        def _(j0):
            for b in range(_NBUF):
                j = j0 + b
                bn = (b + _GD) % _NBUF
                wait_out(j - (_NBUF - _GD), bn)
                start_gather(j + _GD, bn)
                wait_gather(j, b)
                start_out(j, b)

        for j in range(CH - _NBUF, CH):
            b = j % _NBUF
            bn = (b + _GD) % _NBUF
            if j + _GD < CH:
                wait_out(j - (_NBUF - _GD), bn)
                start_gather(j + _GD, bn)
            wait_gather(j, b)
            start_out(j, b)
        for j in range(CH - _NBUF, CH):
            wait_out(j, j % _NBUF)

    out_sb = gather_kernel(vocab, xt).reshape(S, B, D)
    return jnp.transpose(out_sb, (1, 0, 2))

# --- scband reference (transcript-rebuilt; emitter-appended) ---
"""Pipeline reference for scband-embedding-31628139168455 (READ-ONLY COPY).

The authoritative reference and input builder live on the scoring server;
editing this copy changes nothing except your own understanding.
"""

import jax, jax.numpy as jnp
import numpy as np

VOCAB_SIZE = 100000
HIDDEN_SIZE = 128

def setup_inputs(seed: int = 0) -> dict:
    key = jax.random.key(seed)
    k1, k2 = jax.random.split(key)
    x = jax.random.randint(k1, (4096, 50), 0, VOCAB_SIZE, dtype=jnp.int64 if jax.config.jax_enable_x64 else jnp.int32)
    vocab = jax.random.normal(k2, (VOCAB_SIZE, HIDDEN_SIZE), dtype=jnp.float32) * 0.02
    return {"x": x, "vocab": vocab}

def reference(x, vocab):
    # Faithful translation of: return self.vocab[x]
    return jnp.take(vocab, x, axis=0)

if __name__ == "__main__":
    import jax
    _d = setup_inputs()
    print(jax.jit(kernel)(*tuple(_d.values())))

</pallas_src>

<mosaic_0001>
#map = affine_map<(d0, d1) -> (0, 0)>
module attributes {stable_mosaic.version = 14 : i64} {
  func.func @gather_kernel(%arg0: i32, %arg1: i32, %arg2: memref<100000x128xf32, #tpu.memory_space<hbm>>, %arg3: memref<50x4096xi32, #tpu.memory_space<hbm>>, %arg4: memref<204800x128xf32, #tpu.memory_space<hbm>>, %arg5: memref<50x128xi32, #tpu.memory_space<vmem>>, %arg6: memref<5x128x128xf32, #tpu.memory_space<vmem>>, %arg7: memref<!tpu.dma_semaphore, #tpu.memory_space<semaphore_mem>>, %arg8: memref<5x!tpu.dma_semaphore, #tpu.memory_space<semaphore_mem>>, %arg9: memref<5x!tpu.dma_semaphore, #tpu.memory_space<semaphore_mem>>) attributes {dimension_semantics = [#tpu.dimension_semantics<core_parallel>, #tpu.dimension_semantics<subcore_parallel>], iteration_bounds = array<i64: 2, 16>, scalar_prefetch = 0 : i64, scratch_operands = 5 : i64, tpu.core_type = #tpu.core_type<sc_vector_subcore>, window_params = [{transform_indices = #map}, {transform_indices = #map}, {transform_indices = #map}]} {
    %mul3A = arith.constant 2 : i32
    %mul3A_0 = arith.muli %arg1, %mul3A : i32
    %add3A = arith.addi %mul3A_0, %arg0 : i32
    %mul3A_1 = arith.constant 128 : i32
    %mul3A_2 = arith.muli %add3A, %mul3A_1 : i32
    %multiple_of3A = tpu.assume_multiple %mul3A_2, 128 : i32
    %dma_start3A = arith.constant 0 : i32
    %dma_start3A_3 = tpu.memref_slice %arg3[%dma_start3A, %multiple_of3A] : memref<50x4096xi32, #tpu.memory_space<hbm>> -> memref<50x128xi32, #tpu.memory_space<hbm>>
    %dma_start3A_4 = arith.constant 0 : i32
    %dma_start3A_5 = tpu.memref_slice %arg3[%dma_start3A_4, %multiple_of3A] : memref<50x4096xi32, #tpu.memory_space<hbm>> -> memref<50x128xi32, #tpu.memory_space<hbm>>
    tpu.enqueue_dma source(%dma_start3A_5 : memref<50x128xi32, #tpu.memory_space<hbm>>) target(%arg5 : memref<50x128xi32, #tpu.memory_space<vmem>>) target_semaphore(%arg7 : memref<!tpu.dma_semaphore, #tpu.memory_space<semaphore_mem>>)
    %dma_wait3A = arith.constant 0 : i32
    %dma_wait3A_6 = tpu.memref_slice %arg3[%dma_wait3A, %multiple_of3A] : memref<50x4096xi32, #tpu.memory_space<hbm>> -> memref<50x128xi32, #tpu.memory_space<hbm>>
    %dma_wait3A_7 = arith.constant 0 : i32
    %dma_wait3A_8 = tpu.memref_slice %arg3[%dma_wait3A_7, %multiple_of3A] : memref<50x4096xi32, #tpu.memory_space<hbm>> -> memref<50x128xi32, #tpu.memory_space<hbm>>
    tpu.wait_dma2 semaphore(%arg7 : memref<!tpu.dma_semaphore, #tpu.memory_space<semaphore_mem>>) src(%dma_wait3A_8 : memref<50x128xi32, #tpu.memory_space<hbm>>) dst(%arg5 : memref<50x128xi32, #tpu.memory_space<vmem>>)
    %dma_start3A_9 = arith.constant 0 : i32
    %dma_start3A_10 = arith.constant 0 : i32
    %dma_start3A_11 = arith.constant 0 : i32
    %dma_start3A_12 = arith.constant 0 : i32
    %dma_start3A_13 = arith.constant 0 : i32
    %dma_start3A_14 = tpu.memref_slice %arg6[%dma_start3A_10, %dma_start3A_12, %dma_start3A_13] : memref<5x128x128xf32, #tpu.memory_space<vmem>> -> memref<1x128x128xf32, #tpu.memory_space<vmem>>
    %dma_start3A_15 = tpu.memref_squeeze %dma_start3A_14 : memref<1x128x128xf32, #tpu.memory_space<vmem>> -> memref<128x128xf32, #tpu.memory_space<vmem>>
    %dma_start3A_16 = arith.constant 0 : i32
    %dma_start3A_17 = tpu.memref_slice %arg5[%dma_start3A_9, %dma_start3A_16] : memref<50x128xi32, #tpu.memory_space<vmem>> -> memref<1x128xi32, #tpu.memory_space<vmem>>
    %dma_start3A_18 = tpu.memref_squeeze %dma_start3A_17 : memref<1x128xi32, #tpu.memory_space<vmem>> -> memref<128xi32, #tpu.memory_space<vmem>>
    %dma_start3A_19 = arith.constant 0 : i32
    %dma_start3A_20 = arith.constant 0 : i32
    %dma_start3A_21 = tpu.memref_slice %arg2[%dma_start3A_19, %dma_start3A_20] : memref<100000x128xf32, #tpu.memory_space<hbm>> -> memref<100000x128xf32, #tpu.memory_space<hbm>>
    %dma_start3A_22 = tpu.memref_slice %arg8[%dma_start3A_11] : memref<5x!tpu.dma_semaphore, #tpu.memory_space<semaphore_mem>> -> memref<1x!tpu.dma_semaphore, #tpu.memory_space<semaphore_mem>>
    %dma_start3A_23 = tpu.memref_squeeze %dma_start3A_22 : memref<1x!tpu.dma_semaphore, #tpu.memory_space<semaphore_mem>> -> memref<!tpu.dma_semaphore, #tpu.memory_space<semaphore_mem>>
    tpu.enqueue_indirect_dma source(%dma_start3A_21 : memref<100000x128xf32, #tpu.memory_space<hbm>>) target(%dma_start3A_15 : memref<128x128xf32, #tpu.memory_space<vmem>>) offsets(%dma_start3A_18 : memref<128xi32, #tpu.memory_space<vmem>>) semaphore(%dma_start3A_23 : memref<!tpu.dma_semaphore, #tpu.memory_space<semaphore_mem>>)
    %dma_start3A_24 = arith.constant 1 : i32
    %dma_start3A_25 = arith.constant 1 : i32
    %dma_start3A_26 = arith.constant 1 : i32
    %dma_start3A_27 = arith.constant 0 : i32
    %dma_start3A_28 = arith.constant 0 : i32
    %dma_start3A_29 = tpu.memref_slice %arg6[%dma_start3A_25, %dma_start3A_27, %dma_start3A_28] : memref<5x128x128xf32, #tpu.memory_space<vmem>> -> memref<1x128x128xf32, #tpu.memory_space<vmem>>
    %dma_start3A_30 = tpu.memref_squeeze %dma_start3A_29 : memref<1x128x128xf32, #tpu.memory_space<vmem>> -> memref<128x128xf32, #tpu.memory_space<vmem>>
    %dma_start3A_31 = arith.constant 0 : i32
    %dma_start3A_32 = tpu.memref_slice %arg5[%dma_start3A_24, %dma_start3A_31] : memref<50x128xi32, #tpu.memory_space<vmem>> -> memref<1x128xi32, #tpu.memory_space<vmem>>
    %dma_start3A_33 = tpu.memref_squeeze %dma_start3A_32 : memref<1x128xi32, #tpu.memory_space<vmem>> -> memref<128xi32, #tpu.memory_space<vmem>>
    %dma_start3A_34 = arith.constant 0 : i32
    %dma_start3A_35 = arith.constant 0 : i32
    %dma_start3A_36 = tpu.memref_slice %arg2[%dma_start3A_34, %dma_start3A_35] : memref<100000x128xf32, #tpu.memory_space<hbm>> -> memref<100000x128xf32, #tpu.memory_space<hbm>>
    %dma_start3A_37 = tpu.memref_slice %arg8[%dma_start3A_26] : memref<5x!tpu.dma_semaphore, #tpu.memory_space<semaphore_mem>> -> memref<1x!tpu.dma_semaphore, #tpu.memory_space<semaphore_mem>>
    %dma_start3A_38 = tpu.memref_squeeze %dma_start3A_37 : memref<1x!tpu.dma_semaphore, #tpu.memory_space<semaphore_mem>> -> memref<!tpu.dma_semaphore, #tpu.memory_space<semaphore_mem>>
    tpu.enqueue_indirect_dma source(%dma_start3A_36 : memref<100000x128xf32, #tpu.memory_space<hbm>>) target(%dma_start3A_30 : memref<128x128xf32, #tpu.memory_space<vmem>>) offsets(%dma_start3A_33 : memref<128xi32, #tpu.memory_space<vmem>>) semaphore(%dma_start3A_38 : memref<!tpu.dma_semaphore, #tpu.memory_space<semaphore_mem>>)
    %dma_start3A_39 = arith.constant 2 : i32
    %dma_start3A_40 = arith.constant 2 : i32
    %dma_start3A_41 = arith.constant 2 : i32
    %dma_start3A_42 = arith.constant 0 : i32
    %dma_start3A_43 = arith.constant 0 : i32
    %dma_start3A_44 = tpu.memref_slice %arg6[%dma_start3A_40, %dma_start3A_42, %dma_start3A_43] : memref<5x128x128xf32, #tpu.memory_space<vmem>> -> memref<1x128x128xf32, #tpu.memory_space<vmem>>
    %dma_start3A_45 = tpu.memref_squeeze %dma_start3A_44 : memref<1x128x128xf32, #tpu.memory_space<vmem>> -> memref<128x128xf32, #tpu.memory_space<vmem>>
    %dma_start3A_46 = arith.constant 0 : i32
    %dma_start3A_47 = tpu.memref_slice %arg5[%dma_start3A_39, %dma_start3A_46] : memref<50x128xi32, #tpu.memory_space<vmem>> -> memref<1x128xi32, #tpu.memory_space<vmem>>
    %dma_start3A_48 = tpu.memref_squeeze %dma_start3A_47 : memref<1x128xi32, #tpu.memory_space<vmem>> -> memref<128xi32, #tpu.memory_space<vmem>>
    %dma_start3A_49 = arith.constant 0 : i32
    %dma_start3A_50 = arith.constant 0 : i32
    %dma_start3A_51 = tpu.memref_slice %arg2[%dma_start3A_49, %dma_start3A_50] : memref<100000x128xf32, #tpu.memory_space<hbm>> -> memref<100000x128xf32, #tpu.memory_space<hbm>>
    %dma_start3A_52 = tpu.memref_slice %arg8[%dma_start3A_41] : memref<5x!tpu.dma_semaphore, #tpu.memory_space<semaphore_mem>> -> memref<1x!tpu.dma_semaphore, #tpu.memory_space<semaphore_mem>>
    %dma_start3A_53 = tpu.memref_squeeze %dma_start3A_52 : memref<1x!tpu.dma_semaphore, #tpu.memory_space<semaphore_mem>> -> memref<!tpu.dma_semaphore, #tpu.memory_space<semaphore_mem>>
    tpu.enqueue_indirect_dma source(%dma_start3A_51 : memref<100000x128xf32, #tpu.memory_space<hbm>>) target(%dma_start3A_45 : memref<128x128xf32, #tpu.memory_space<vmem>>) offsets(%dma_start3A_48 : memref<128xi32, #tpu.memory_space<vmem>>) semaphore(%dma_start3A_53 : memref<!tpu.dma_semaphore, #tpu.memory_space<semaphore_mem>>)
    %dma_start3A_54 = arith.constant 3 : i32
    %dma_start3A_55 = arith.constant 3 : i32
    %dma_start3A_56 = arith.constant 3 : i32
    %dma_start3A_57 = arith.constant 0 : i32
    %dma_start3A_58 = arith.constant 0 : i32
    %dma_start3A_59 = tpu.memref_slice %arg6[%dma_start3A_55, %dma_start3A_57, %dma_start3A_58] : memref<5x128x128xf32, #tpu.memory_space<vmem>> -> memref<1x128x128xf32, #tpu.memory_space<vmem>>
    %dma_start3A_60 = tpu.memref_squeeze %dma_start3A_59 : memref<1x128x128xf32, #tpu.memory_space<vmem>> -> memref<128x128xf32, #tpu.memory_space<vmem>>
    %dma_start3A_61 = arith.constant 0 : i32
    %dma_start3A_62 = tpu.memref_slice %arg5[%dma_start3A_54, %dma_start3A_61] : memref<50x128xi32, #tpu.memory_space<vmem>> -> memref<1x128xi32, #tpu.memory_space<vmem>>
    %dma_start3A_63 = tpu.memref_squeeze %dma_start3A_62 : memref<1x128xi32, #tpu.memory_space<vmem>> -> memref<128xi32, #tpu.memory_space<vmem>>
    %dma_start3A_64 = arith.constant 0 : i32
    %dma_start3A_65 = arith.constant 0 : i32
    %dma_start3A_66 = tpu.memref_slice %arg2[%dma_start3A_64, %dma_start3A_65] : memref<100000x128xf32, #tpu.memory_space<hbm>> -> memref<100000x128xf32, #tpu.memory_space<hbm>>
    %dma_start3A_67 = tpu.memref_slice %arg8[%dma_start3A_56] : memref<5x!tpu.dma_semaphore, #tpu.memory_space<semaphore_mem>> -> memref<1x!tpu.dma_semaphore, #tpu.memory_space<semaphore_mem>>
    %dma_start3A_68 = tpu.memref_squeeze %dma_start3A_67 : memref<1x!tpu.dma_semaphore, #tpu.memory_space<semaphore_mem>> -> memref<!tpu.dma_semaphore, #tpu.memory_space<semaphore_mem>>
    tpu.enqueue_indirect_dma source(%dma_start3A_66 : memref<100000x128xf32, #tpu.memory_space<hbm>>) target(%dma_start3A_60 : memref<128x128xf32, #tpu.memory_space<vmem>>) offsets(%dma_start3A_63 : memref<128xi32, #tpu.memory_space<vmem>>) semaphore(%dma_start3A_68 : memref<!tpu.dma_semaphore, #tpu.memory_space<semaphore_mem>>)
    %dma_start3A_69 = arith.constant 4 : i32
    %dma_start3A_70 = arith.constant 4 : i32
    %dma_start3A_71 = arith.constant 4 : i32
    %dma_start3A_72 = arith.constant 0 : i32
    %dma_start3A_73 = arith.constant 0 : i32
    %dma_start3A_74 = tpu.memref_slice %arg6[%dma_start3A_70, %dma_start3A_72, %dma_start3A_73] : memref<5x128x128xf32, #tpu.memory_space<vmem>> -> memref<1x128x128xf32, #tpu.memory_space<vmem>>
    %dma_start3A_75 = tpu.memref_squeeze %dma_start3A_74 : memref<1x128x128xf32, #tpu.memory_space<vmem>> -> memref<128x128xf32, #tpu.memory_space<vmem>>
    %dma_start3A_76 = arith.constant 0 : i32
    %dma_start3A_77 = tpu.memref_slice %arg5[%dma_start3A_69, %dma_start3A_76] : memref<50x128xi32, #tpu.memory_space<vmem>> -> memref<1x128xi32, #tpu.memory_space<vmem>>
    %dma_start3A_78 = tpu.memref_squeeze %dma_start3A_77 : memref<1x128xi32, #tpu.memory_space<vmem>> -> memref<128xi32, #tpu.memory_space<vmem>>
    %dma_start3A_79 = arith.constant 0 : i32
    %dma_start3A_80 = arith.constant 0 : i32
    %dma_start3A_81 = tpu.memref_slice %arg2[%dma_start3A_79, %dma_start3A_80] : memref<100000x128xf32, #tpu.memory_space<hbm>> -> memref<100000x128xf32, #tpu.memory_space<hbm>>
    %dma_start3A_82 = tpu.memref_slice %arg8[%dma_start3A_71] : memref<5x!tpu.dma_semaphore, #tpu.memory_space<semaphore_mem>> -> memref<1x!tpu.dma_semaphore, #tpu.memory_space<semaphore_mem>>
    %dma_start3A_83 = tpu.memref_squeeze %dma_start3A_82 : memref<1x!tpu.dma_semaphore, #tpu.memory_space<semaphore_mem>> -> memref<!tpu.dma_semaphore, #tpu.memory_space<semaphore_mem>>
    tpu.enqueue_indirect_dma source(%dma_start3A_81 : memref<100000x128xf32, #tpu.memory_space<hbm>>) target(%dma_start3A_75 : memref<128x128xf32, #tpu.memory_space<vmem>>) offsets(%dma_start3A_78 : memref<128xi32, #tpu.memory_space<vmem>>) semaphore(%dma_start3A_83 : memref<!tpu.dma_semaphore, #tpu.memory_space<semaphore_mem>>)
    %dma_wait3A_84 = arith.constant 0 : i32
    %dma_wait3A_85 = arith.constant 0 : i32
    %dma_wait3A_86 = arith.constant 0 : i32
    %dma_wait3A_87 = arith.constant 0 : i32
    %dma_wait3A_88 = arith.constant 0 : i32
    %dma_wait3A_89 = tpu.memref_slice %arg6[%dma_wait3A_85, %dma_wait3A_87, %dma_wait3A_88] : memref<5x128x128xf32, #tpu.memory_space<vmem>> -> memref<1x128x128xf32, #tpu.memory_space<vmem>>
    %dma_wait3A_90 = tpu.memref_squeeze %dma_wait3A_89 : memref<1x128x128xf32, #tpu.memory_space<vmem>> -> memref<128x128xf32, #tpu.memory_space<vmem>>
    %dma_wait3A_91 = arith.constant 0 : i32
    %dma_wait3A_92 = tpu.memref_slice %arg5[%dma_wait3A_84, %dma_wait3A_91] : memref<50x128xi32, #tpu.memory_space<vmem>> -> memref<1x128xi32, #tpu.memory_space<vmem>>
    %dma_wait3A_93 = tpu.memref_squeeze %dma_wait3A_92 : memref<1x128xi32, #tpu.memory_space<vmem>> -> memref<128xi32, #tpu.memory_space<vmem>>
    %dma_wait3A_94 = arith.constant 0 : i32
    %dma_wait3A_95 = arith.constant 0 : i32
    %dma_wait3A_96 = tpu.memref_slice %arg2[%dma_wait3A_94, %dma_wait3A_95] : memref<100000x128xf32, #tpu.memory_space<hbm>> -> memref<100000x128xf32, #tpu.memory_space<hbm>>
    %dma_wait3A_97 = tpu.memref_slice %arg8[%dma_wait3A_86] : memref<5x!tpu.dma_semaphore, #tpu.memory_space<semaphore_mem>> -> memref<1x!tpu.dma_semaphore, #tpu.memory_space<semaphore_mem>>
    %dma_wait3A_98 = tpu.memref_squeeze %dma_wait3A_97 : memref<1x!tpu.dma_semaphore, #tpu.memory_space<semaphore_mem>> -> memref<!tpu.dma_semaphore, #tpu.memory_space<semaphore_mem>>
    tpu.wait_indirect_dma semaphore(%dma_wait3A_98 : memref<!tpu.dma_semaphore, #tpu.memory_space<semaphore_mem>>) src(%dma_wait3A_96 : memref<100000x128xf32, #tpu.memory_space<hbm>>) dst(%dma_wait3A_90 : memref<128x128xf32, #tpu.memory_space<vmem>>)
    %add3A_99 = arith.constant 0 : i32
    %add3A_100 = arith.addi %add3A_99, %multiple_of3A : i32
    %multiple_of3A_101 = tpu.assume_multiple %add3A_100, 128 : i32
    %dma_start3A_102 = arith.constant 0 : i32
    %dma_start3A_103 = arith.constant 0 : i32
    %dma_start3A_104 = arith.constant 0 : i32
    %dma_start3A_105 = arith.constant 0 : i32
    %dma_start3A_106 = tpu.memref_slice %arg6[%dma_start3A_102, %dma_start3A_104, %dma_start3A_105] : memref<5x128x128xf32, #tpu.memory_space<vmem>> -> memref<1x128x128xf32, #tpu.memory_space<vmem>>
    %dma_start3A_107 = tpu.memref_squeeze %dma_start3A_106 : memref<1x128x128xf32, #tpu.memory_space<vmem>> -> memref<128x128xf32, #tpu.memory_space<vmem>>
    %dma_start3A_108 = arith.constant 0 : i32
    %dma_start3A_109 = tpu.memref_slice %arg4[%multiple_of3A_101, %dma_start3A_108] : memref<204800x128xf32, #tpu.memory_space<hbm>> -> memref<128x128xf32, #tpu.memory_space<hbm>>
    %dma_start3A_110 = tpu.memref_slice %arg9[%dma_start3A_103] : memref<5x!tpu.dma_semaphore, #tpu.memory_space<semaphore_mem>> -> memref<1x!tpu.dma_semaphore, #tpu.memory_space<semaphore_mem>>
    %dma_start3A_111 = tpu.memref_squeeze %dma_start3A_110 : memref<1x!tpu.dma_semaphore, #tpu.memory_space<semaphore_mem>> -> memref<!tpu.dma_semaphore, #tpu.memory_space<semaphore_mem>>
    %dma_start3A_112 = arith.constant 0 : i32
    %dma_start3A_113 = tpu.memref_slice %arg4[%multiple_of3A_101, %dma_start3A_112] : memref<204800x128xf32, #tpu.memory_space<hbm>> -> memref<128x128xf32, #tpu.memory_space<hbm>>
    %dma_start3A_114 = arith.constant 0 : i32
    %dma_start3A_115 = arith.constant 0 : i32
    %dma_start3A_116 = tpu.memref_slice %arg6[%dma_start3A_102, %dma_start3A_114, %dma_start3A_115] : memref<5x128x128xf32, #tpu.memory_space<vmem>> -> memref<1x128x128xf32, #tpu.memory_space<vmem>>
    %dma_start3A_117 = tpu.memref_squeeze %dma_start3A_116 : memref<1x128x128xf32, #tpu.memory_space<vmem>> -> memref<128x128xf32, #tpu.memory_space<vmem>>
    tpu.enqueue_dma source(%dma_start3A_117 : memref<128x128xf32, #tpu.memory_space<vmem>>) target(%dma_start3A_113 : memref<128x128xf32, #tpu.memory_space<hbm>>) target_semaphore(%dma_start3A_111 : memref<!tpu.dma_semaphore, #tpu.memory_space<semaphore_mem>>)
    %add3A_118 = arith.constant 0 : i32
    %add3A_119 = arith.addi %add3A_118, %multiple_of3A : i32
    %multiple_of3A_120 = tpu.assume_multiple %add3A_119, 128 : i32
    %dma_wait3A_121 = arith.constant 0 : i32
    %dma_wait3A_122 = arith.constant 0 : i32
    %dma_wait3A_123 = arith.constant 0 : i32
    %dma_wait3A_124 = arith.constant 0 : i32
    %dma_wait3A_125 = tpu.memref_slice %arg6[%dma_wait3A_121, %dma_wait3A_123, %dma_wait3A_124] : memref<5x128x128xf32, #tpu.memory_space<vmem>> -> memref<1x128x128xf32, #tpu.memory_space<vmem>>
    %dma_wait3A_126 = tpu.memref_squeeze %dma_wait3A_125 : memref<1x128x128xf32, #tpu.memory_space<vmem>> -> memref<128x128xf32, #tpu.memory_space<vmem>>
    %dma_wait3A_127 = arith.constant 0 : i32
    %dma_wait3A_128 = tpu.memref_slice %arg4[%multiple_of3A_120, %dma_wait3A_127] : memref<204800x128xf32, #tpu.memory_space<hbm>> -> memref<128x128xf32, #tpu.memory_space<hbm>>
    %dma_wait3A_129 = tpu.memref_slice %arg9[%dma_wait3A_122] : memref<5x!tpu.dma_semaphore, #tpu.memory_space<semaphore_mem>> -> memref<1x!tpu.dma_semaphore, #tpu.memory_space<semaphore_mem>>
    %dma_wait3A_130 = tpu.memref_squeeze %dma_wait3A_129 : memref<1x!tpu.dma_semaphore, #tpu.memory_space<semaphore_mem>> -> memref<!tpu.dma_semaphore, #tpu.memory_space<semaphore_mem>>
    %dma_wait3A_131 = arith.constant 0 : i32
    %dma_wait3A_132 = tpu.memref_slice %arg4[%multiple_of3A_120, %dma_wait3A_131] : memref<204800x128xf32, #tpu.memory_space<hbm>> -> memref<128x128xf32, #tpu.memory_space<hbm>>
    %dma_wait3A_133 = arith.constant 0 : i32
    %dma_wait3A_134 = arith.constant 0 : i32
    %dma_wait3A_135 = tpu.memref_slice %arg6[%dma_wait3A_121, %dma_wait3A_133, %dma_wait3A_134] : memref<5x128x128xf32, #tpu.memory_space<vmem>> -> memref<1x128x128xf32, #tpu.memory_space<vmem>>
    %dma_wait3A_136 = tpu.memref_squeeze %dma_wait3A_135 : memref<1x128x128xf32, #tpu.memory_space<vmem>> -> memref<128x128xf32, #tpu.memory_space<vmem>>
    tpu.wait_dma2 semaphore(%dma_wait3A_130 : memref<!tpu.dma_semaphore, #tpu.memory_space<semaphore_mem>>) src(%dma_wait3A_136 : memref<128x128xf32, #tpu.memory_space<vmem>>) dst(%dma_wait3A_132 : memref<128x128xf32, #tpu.memory_space<hbm>>)
    %dma_start3A_137 = arith.constant 5 : i32
    %dma_start3A_138 = arith.constant 0 : i32
    %dma_start3A_139 = arith.constant 0 : i32
    %dma_start3A_140 = arith.constant 0 : i32
    %dma_start3A_141 = arith.constant 0 : i32
    %dma_start3A_142 = tpu.memref_slice %arg6[%dma_start3A_138, %dma_start3A_140, %dma_start3A_141] : memref<5x128x128xf32, #tpu.memory_space<vmem>> -> memref<1x128x128xf32, #tpu.memory_space<vmem>>
    %dma_start3A_143 = tpu.memref_squeeze %dma_start3A_142 : memref<1x128x128xf32, #tpu.memory_space<vmem>> -> memref<128x128xf32, #tpu.memory_space<vmem>>
    %dma_start3A_144 = arith.constant 0 : i32
    %dma_start3A_145 = tpu.memref_slice %arg5[%dma_start3A_137, %dma_start3A_144] : memref<50x128xi32, #tpu.memory_space<vmem>> -> memref<1x128xi32, #tpu.memory_space<vmem>>
    %dma_start3A_146 = tpu.memref_squeeze %dma_start3A_145 : memref<1x128xi32, #tpu.memory_space<vmem>> -> memref<128xi32, #tpu.memory_space<vmem>>
    %dma_start3A_147 = arith.constant 0 : i32
    %dma_start3A_148 = arith.constant 0 : i32
    %dma_start3A_149 = tpu.memref_slice %arg2[%dma_start3A_147, %dma_start3A_148] : memref<100000x128xf32, #tpu.memory_space<hbm>> -> memref<100000x128xf32, #tpu.memory_space<hbm>>
    %dma_start3A_150 = tpu.memref_slice %arg8[%dma_start3A_139] : memref<5x!tpu.dma_semaphore, #tpu.memory_space<semaphore_mem>> -> memref<1x!tpu.dma_semaphore, #tpu.memory_space<semaphore_mem>>
    %dma_start3A_151 = tpu.memref_squeeze %dma_start3A_150 : memref<1x!tpu.dma_semaphore, #tpu.memory_space<semaphore_mem>> -> memref<!tpu.dma_semaphore, #tpu.memory_space<semaphore_mem>>
    tpu.enqueue_indirect_dma source(%dma_start3A_149 : memref<100000x128xf32, #tpu.memory_space<hbm>>) target(%dma_start3A_143 : memref<128x128xf32, #tpu.memory_space<vmem>>) offsets(%dma_start3A_146 : memref<128xi32, #tpu.memory_space<vmem>>) semaphore(%dma_start3A_151 : memref<!tpu.dma_semaphore, #tpu.memory_space<semaphore_mem>>)
    %dma_wait3A_152 = arith.constant 1 : i32
    %dma_wait3A_153 = arith.constant 1 : i32
    %dma_wait3A_154 = arith.constant 1 : i32
    %dma_wait3A_155 = arith.constant 0 : i32
    %dma_wait3A_156 = arith.constant 0 : i32
    %dma_wait3A_157 = tpu.memref_slice %arg6[%dma_wait3A_153, %dma_wait3A_155, %dma_wait3A_156] : memref<5x128x128xf32, #tpu.memory_space<vmem>> -> memref<1x128x128xf32, #tpu.memory_space<vmem>>
    %dma_wait3A_158 = tpu.memref_squeeze %dma_wait3A_157 : memref<1x128x128xf32, #tpu.memory_space<vmem>> -> memref<128x128xf32, #tpu.memory_space<vmem>>
    %dma_wait3A_159 = arith.constant 0 : i32
    %dma_wait3A_160 = tpu.memref_slice %arg5[%dma_wait3A_152, %dma_wait3A_159] : memref<50x128xi32, #tpu.memory_space<vmem>> -> memref<1x128xi32, #tpu.memory_space<vmem>>
    %dma_wait3A_161 = tpu.memref_squeeze %dma_wait3A_160 : memref<1x128xi32, #tpu.memory_space<vmem>> -> memref<128xi32, #tpu.memory_space<vmem>>
    %dma_wait3A_162 = arith.constant 0 : i32
    %dma_wait3A_163 = arith.constant 0 : i32
    %dma_wait3A_164 = tpu.memref_slice %arg2[%dma_wait3A_162, %dma_wait3A_163] : memref<100000x128xf32, #tpu.memory_space<hbm>> -> memref<100000x128xf32, #tpu.memory_space<hbm>>
    %dma_wait3A_165 = tpu.memref_slice %arg8[%dma_wait3A_154] : memref<5x!tpu.dma_semaphore, #tpu.memory_space<semaphore_mem>> -> memref<1x!tpu.dma_semaphore, #tpu.memory_space<semaphore_mem>>
    %dma_wait3A_166 = tpu.memref_squeeze %dma_wait3A_165 : memref<1x!tpu.dma_semaphore, #tpu.memory_space<semaphore_mem>> -> memref<!tpu.dma_semaphore, #tpu.memory_space<semaphore_mem>>
    tpu.wait_indirect_dma semaphore(%dma_wait3A_166 : memref<!tpu.dma_semaphore, #tpu.memory_space<semaphore_mem>>) src(%dma_wait3A_164 : memref<100000x128xf32, #tpu.memory_space<hbm>>) dst(%dma_wait3A_158 : memref<128x128xf32, #tpu.memory_space<vmem>>)
    %add3A_167 = arith.constant 4096 : i32
    %add3A_168 = arith.addi %add3A_167, %multiple_of3A : i32
    %multiple_of3A_169 = tpu.assume_multiple %add3A_168, 128 : i32
    %dma_start3A_170 = arith.constant 1 : i32
    %dma_start3A_171 = arith.constant 1 : i32
    %dma_start3A_172 = arith.constant 0 : i32
    %dma_start3A_173 = arith.constant 0 : i32
    %dma_start3A_174 = tpu.memref_slice %arg6[%dma_start3A_170, %dma_start3A_172, %dma_start3A_173] : memref<5x128x128xf32, #tpu.memory_space<vmem>> -> memref<1x128x128xf32, #tpu.memory_space<vmem>>
    %dma_start3A_175 = tpu.memref_squeeze %dma_start3A_174 : memref<1x128x128xf32, #tpu.memory_space<vmem>> -> memref<128x128xf32, #tpu.memory_space<vmem>>
    %dma_start3A_176 = arith.constant 0 : i32
    %dma_start3A_177 = tpu.memref_slice %arg4[%multiple_of3A_169, %dma_start3A_176] : memref<204800x128xf32, #tpu.memory_space<hbm>> -> memref<128x128xf32, #tpu.memory_space<hbm>>
    %dma_start3A_178 = tpu.memref_slice %arg9[%dma_start3A_171] : memref<5x!tpu.dma_semaphore, #tpu.memory_space<semaphore_mem>> -> memref<1x!tpu.dma_semaphore, #tpu.memory_space<semaphore_mem>>
    %dma_start3A_179 = tpu.memref_squeeze %dma_start3A_178 : memref<1x!tpu.dma_semaphore, #tpu.memory_space<semaphore_mem>> -> memref<!tpu.dma_semaphore, #tpu.memory_space<semaphore_mem>>
    %dma_start3A_180 = arith.constant 0 : i32
    %dma_start3A_181 = tpu.memref_slice %arg4[%multiple_of3A_169, %dma_start3A_180] : memref<204800x128xf32, #tpu.memory_space<hbm>> -> memref<128x128xf32, #tpu.memory_space<hbm>>
    %dma_start3A_182 = arith.constant 0 : i32
    %dma_start3A_183 = arith.constant 0 : i32
    %dma_start3A_184 = tpu.memref_slice %arg6[%dma_start3A_170, %dma_start3A_182, %dma_start3A_183] : memref<5x128x128xf32, #tpu.memory_space<vmem>> -> memref<1x128x128xf32, #tpu.memory_space<vmem>>
    %dma_start3A_185 = tpu.memref_squeeze %dma_start3A_184 : memref<1x128x128xf32, #tpu.memory_space<vmem>> -> memref<128x128xf32, #tpu.memory_space<vmem>>
    tpu.enqueue_dma source(%dma_start3A_185 : memref<128x128xf32, #tpu.memory_space<vmem>>) target(%dma_start3A_181 : memref<128x128xf32, #tpu.memory_space<hbm>>) target_semaphore(%dma_start3A_179 : memref<!tpu.dma_semaphore, #tpu.memory_space<semaphore_mem>>)
    %add3A_186 = arith.constant 4096 : i32
    %add3A_187 = arith.addi %add3A_186, %multiple_of3A : i32
    %multiple_of3A_188 = tpu.assume_multiple %add3A_187, 128 : i32
    %dma_wait3A_189 = arith.constant 1 : i32
    %dma_wait3A_190 = arith.constant 1 : i32
    %dma_wait3A_191 = arith.constant 0 : i32
    %dma_wait3A_192 = arith.constant 0 : i32
    %dma_wait3A_193 = tpu.memref_slice %arg6[%dma_wait3A_189, %dma_wait3A_191, %dma_wait3A_192] : memref<5x128x128xf32, #tpu.memory_space<vmem>> -> memref<1x128x128xf32, #tpu.memory_space<vmem>>
    %dma_wait3A_194 = tpu.memref_squeeze %dma_wait3A_193 : memref<1x128x128xf32, #tpu.memory_space<vmem>> -> memref<128x128xf32, #tpu.memory_space<vmem>>
    %dma_wait3A_195 = arith.constant 0 : i32
    %dma_wait3A_196 = tpu.memref_slice %arg4[%multiple_of3A_188, %dma_wait3A_195] : memref<204800x128xf32, #tpu.memory_space<hbm>> -> memref<128x128xf32, #tpu.memory_space<hbm>>
    %dma_wait3A_197 = tpu.memref_slice %arg9[%dma_wait3A_190] : memref<5x!tpu.dma_semaphore, #tpu.memory_space<semaphore_mem>> -> memref<1x!tpu.dma_semaphore, #tpu.memory_space<semaphore_mem>>
    %dma_wait3A_198 = tpu.memref_squeeze %dma_wait3A_197 : memref<1x!tpu.dma_semaphore, #tpu.memory_space<semaphore_mem>> -> memref<!tpu.dma_semaphore, #tpu.memory_space<semaphore_mem>>
    %dma_wait3A_199 = arith.constant 0 : i32
    %dma_wait3A_200 = tpu.memref_slice %arg4[%multiple_of3A_188, %dma_wait3A_199] : memref<204800x128xf32, #tpu.memory_space<hbm>> -> memref<128x128xf32, #tpu.memory_space<hbm>>
    %dma_wait3A_201 = arith.constant 0 : i32
    %dma_wait3A_202 = arith.constant 0 : i32
    %dma_wait3A_203 = tpu.memref_slice %arg6[%dma_wait3A_189, %dma_wait3A_201, %dma_wait3A_202] : memref<5x128x128xf32, #tpu.memory_space<vmem>> -> memref<1x128x128xf32, #tpu.memory_space<vmem>>
    %dma_wait3A_204 = tpu.memref_squeeze %dma_wait3A_203 : memref<1x128x128xf32, #tpu.memory_space<vmem>> -> memref<128x128xf32, #tpu.memory_space<vmem>>
    tpu.wait_dma2 semaphore(%dma_wait3A_198 : memref<!tpu.dma_semaphore, #tpu.memory_space<semaphore_mem>>) src(%dma_wait3A_204 : memref<128x128xf32, #tpu.memory_space<vmem>>) dst(%dma_wait3A_200 : memref<128x128xf32, #tpu.memory_space<hbm>>)
    %dma_start3A_205 = arith.constant 6 : i32
    %dma_start3A_206 = arith.constant 1 : i32
    %dma_start3A_207 = arith.constant 1 : i32
    %dma_start3A_208 = arith.constant 0 : i32
    %dma_start3A_209 = arith.constant 0 : i32
    %dma_start3A_210 = tpu.memref_slice %arg6[%dma_start3A_206, %dma_start3A_208, %dma_start3A_209] : memref<5x128x128xf32, #tpu.memory_space<vmem>> -> memref<1x128x128xf32, #tpu.memory_space<vmem>>
    %dma_start3A_211 = tpu.memref_squeeze %dma_start3A_210 : memref<1x128x128xf32, #tpu.memory_space<vmem>> -> memref<128x128xf32, #tpu.memory_space<vmem>>
    %dma_start3A_212 = arith.constant 0 : i32
    %dma_start3A_213 = tpu.memref_slice %arg5[%dma_start3A_205, %dma_start3A_212] : memref<50x128xi32, #tpu.memory_space<vmem>> -> memref<1x128xi32, #tpu.memory_space<vmem>>
    %dma_start3A_214 = tpu.memref_squeeze %dma_start3A_213 : memref<1x128xi32, #tpu.memory_space<vmem>> -> memref<128xi32, #tpu.memory_space<vmem>>
    %dma_start3A_215 = arith.constant 0 : i32
    %dma_start3A_216 = arith.constant 0 : i32
    %dma_start3A_217 = tpu.memref_slice %arg2[%dma_start3A_215, %dma_start3A_216] : memref<100000x128xf32, #tpu.memory_space<hbm>> -> memref<100000x128xf32, #tpu.memory_space<hbm>>
    %dma_start3A_218 = tpu.memref_slice %arg8[%dma_start3A_207] : memref<5x!tpu.dma_semaphore, #tpu.memory_space<semaphore_mem>> -> memref<1x!tpu.dma_semaphore, #tpu.memory_space<semaphore_mem>>
    %dma_start3A_219 = tpu.memref_squeeze %dma_start3A_218 : memref<1x!tpu.dma_semaphore, #tpu.memory_space<semaphore_mem>> -> memref<!tpu.dma_semaphore, #tpu.memory_space<semaphore_mem>>
    tpu.enqueue_indirect_dma source(%dma_start3A_217 : memref<100000x128xf32, #tpu.memory_space<hbm>>) target(%dma_start3A_211 : memref<128x128xf32, #tpu.memory_space<vmem>>) offsets(%dma_start3A_214 : memref<128xi32, #tpu.memory_space<vmem>>) semaphore(%dma_start3A_219 : memref<!tpu.dma_semaphore, #tpu.memory_space<semaphore_mem>>)
    %dma_wait3A_220 = arith.constant 2 : i32
    %dma_wait3A_221 = arith.constant 2 : i32
    %dma_wait3A_222 = arith.constant 2 : i32
    %dma_wait3A_223 = arith.constant 0 : i32
    %dma_wait3A_224 = arith.constant 0 : i32
    %dma_wait3A_225 = tpu.memref_slice %arg6[%dma_wait3A_221, %dma_wait3A_223, %dma_wait3A_224] : memref<5x128x128xf32, #tpu.memory_space<vmem>> -> memref<1x128x128xf32, #tpu.memory_space<vmem>>
    %dma_wait3A_226 = tpu.memref_squeeze %dma_wait3A_225 : memref<1x128x128xf32, #tpu.memory_space<vmem>> -> memref<128x128xf32, #tpu.memory_space<vmem>>
    %dma_wait3A_227 = arith.constant 0 : i32
    %dma_wait3A_228 = tpu.memref_slice %arg5[%dma_wait3A_220, %dma_wait3A_227] : memref<50x128xi32, #tpu.memory_space<vmem>> -> memref<1x128xi32, #tpu.memory_space<vmem>>
    %dma_wait3A_229 = tpu.memref_squeeze %dma_wait3A_228 : memref<1x128xi32, #tpu.memory_space<vmem>> -> memref<128xi32, #tpu.memory_space<vmem>>
    %dma_wait3A_230 = arith.constant 0 : i32
    %dma_wait3A_231 = arith.constant 0 : i32
    %dma_wait3A_232 = tpu.memref_slice %arg2[%dma_wait3A_230, %dma_wait3A_231] : memref<100000x128xf32, #tpu.memory_space<hbm>> -> memref<100000x128xf32, #tpu.memory_space<hbm>>
    %dma_wait3A_233 = tpu.memref_slice %arg8[%dma_wait3A_222] : memref<5x!tpu.dma_semaphore, #tpu.memory_space<semaphore_mem>> -> memref<1x!tpu.dma_semaphore, #tpu.memory_space<semaphore_mem>>
    %dma_wait3A_234 = tpu.memref_squeeze %dma_wait3A_233 : memref<1x!tpu.dma_semaphore, #tpu.memory_space<semaphore_mem>> -> memref<!tpu.dma_semaphore, #tpu.memory_space<semaphore_mem>>
    tpu.wait_indirect_dma semaphore(%dma_wait3A_234 : memref<!tpu.dma_semaphore, #tpu.memory_space<semaphore_mem>>) src(%dma_wait3A_232 : memref<100000x128xf32, #tpu.memory_space<hbm>>) dst(%dma_wait3A_226 : memref<128x128xf32, #tpu.memory_space<vmem>>)
    %add3A_235 = arith.constant 8192 : i32
    %add3A_236 = arith.addi %add3A_235, %multiple_of3A : i32
    %multiple_of3A_237 = tpu.assume_multiple %add3A_236, 128 : i32
    %dma_start3A_238 = arith.constant 2 : i32
    %dma_start3A_239 = arith.constant 2 : i32
    %dma_start3A_240 = arith.constant 0 : i32
    %dma_start3A_241 = arith.constant 0 : i32
    %dma_start3A_242 = tpu.memref_slice %arg6[%dma_start3A_238, %dma_start3A_240, %dma_start3A_241] : memref<5x128x128xf32, #tpu.memory_space<vmem>> -> memref<1x128x128xf32, #tpu.memory_space<vmem>>
    %dma_start3A_243 = tpu.memref_squeeze %dma_start3A_242 : memref<1x128x128xf32, #tpu.memory_space<vmem>> -> memref<128x128xf32, #tpu.memory_space<vmem>>
    %dma_start3A_244 = arith.constant 0 : i32
    %dma_start3A_245 = tpu.memref_slice %arg4[%multiple_of3A_237, %dma_start3A_244] : memref<204800x128xf32, #tpu.memory_space<hbm>> -> memref<128x128xf32, #tpu.memory_space<hbm>>
    %dma_start3A_246 = tpu.memref_slice %arg9[%dma_start3A_239] : memref<5x!tpu.dma_semaphore, #tpu.memory_space<semaphore_mem>> -> memref<1x!tpu.dma_semaphore, #tpu.memory_space<semaphore_mem>>
    %dma_start3A_247 = tpu.memref_squeeze %dma_start3A_246 : memref<1x!tpu.dma_semaphore, #tpu.memory_space<semaphore_mem>> -> memref<!tpu.dma_semaphore, #tpu.memory_space<semaphore_mem>>
    %dma_start3A_248 = arith.constant 0 : i32
    %dma_start3A_249 = tpu.memref_slice %arg4[%multiple_of3A_237, %dma_start3A_248] : memref<204800x128xf32, #tpu.memory_space<hbm>> -> memref<128x128xf32, #tpu.memory_space<hbm>>
    %dma_start3A_250 = arith.constant 0 : i32
    %dma_start3A_251 = arith.constant 0 : i32
    %dma_start3A_252 = tpu.memref_slice %arg6[%dma_start3A_238, %dma_start3A_250, %dma_start3A_251] : memref<5x128x128xf32, #tpu.memory_space<vmem>> -> memref<1x128x128xf32, #tpu.memory_space<vmem>>
    %dma_start3A_253 = tpu.memref_squeeze %dma_start3A_252 : memref<1x128x128xf32, #tpu.memory_space<vmem>> -> memref<128x128xf32, #tpu.memory_space<vmem>>
    tpu.enqueue_dma source(%dma_start3A_253 : memref<128x128xf32, #tpu.memory_space<vmem>>) target(%dma_start3A_249 : memref<128x128xf32, #tpu.memory_space<hbm>>) target_semaphore(%dma_start3A_247 : memref<!tpu.dma_semaphore, #tpu.memory_space<semaphore_mem>>)
    %add3A_254 = arith.constant 8192 : i32
    %add3A_255 = arith.addi %add3A_254, %multiple_of3A : i32
    %multiple_of3A_256 = tpu.assume_multiple %add3A_255, 128 : i32
    %dma_wait3A_257 = arith.constant 2 : i32
    %dma_wait3A_258 = arith.constant 2 : i32
    %dma_wait3A_259 = arith.constant 0 : i32
    %dma_wait3A_260 = arith.constant 0 : i32
    %dma_wait3A_261 = tpu.memref_slice %arg6[%dma_wait3A_257, %dma_wait3A_259, %dma_wait3A_260] : memref<5x128x128xf32, #tpu.memory_space<vmem>> -> memref<1x128x128xf32, #tpu.memory_space<vmem>>
    %dma_wait3A_262 = tpu.memref_squeeze %dma_wait3A_261 : memref<1x128x128xf32, #tpu.memory_space<vmem>> -> memref<128x128xf32, #tpu.memory_space<vmem>>
    %dma_wait3A_263 = arith.constant 0 : i32
    %dma_wait3A_264 = tpu.memref_slice %arg4[%multiple_of3A_256, %dma_wait3A_263] : memref<204800x128xf32, #tpu.memory_space<hbm>> -> memref<128x128xf32, #tpu.memory_space<hbm>>
    %dma_wait3A_265 = tpu.memref_slice %arg9[%dma_wait3A_258] : memref<5x!tpu.dma_semaphore, #tpu.memory_space<semaphore_mem>> -> memref<1x!tpu.dma_semaphore, #tpu.memory_space<semaphore_mem>>
    %dma_wait3A_266 = tpu.memref_squeeze %dma_wait3A_265 : memref<1x!tpu.dma_semaphore, #tpu.memory_space<semaphore_mem>> -> memref<!tpu.dma_semaphore, #tpu.memory_space<semaphore_mem>>
    %dma_wait3A_267 = arith.constant 0 : i32
    %dma_wait3A_268 = tpu.memref_slice %arg4[%multiple_of3A_256, %dma_wait3A_267] : memref<204800x128xf32, #tpu.memory_space<hbm>> -> memref<128x128xf32, #tpu.memory_space<hbm>>
    %dma_wait3A_269 = arith.constant 0 : i32
    %dma_wait3A_270 = arith.constant 0 : i32
    %dma_wait3A_271 = tpu.memref_slice %arg6[%dma_wait3A_257, %dma_wait3A_269, %dma_wait3A_270] : memref<5x128x128xf32, #tpu.memory_space<vmem>> -> memref<1x128x128xf32, #tpu.memory_space<vmem>>
    %dma_wait3A_272 = tpu.memref_squeeze %dma_wait3A_271 : memref<1x128x128xf32, #tpu.memory_space<vmem>> -> memref<128x128xf32, #tpu.memory_space<vmem>>
    tpu.wait_dma2 semaphore(%dma_wait3A_266 : memref<!tpu.dma_semaphore, #tpu.memory_space<semaphore_mem>>) src(%dma_wait3A_272 : memref<128x128xf32, #tpu.memory_space<vmem>>) dst(%dma_wait3A_268 : memref<128x128xf32, #tpu.memory_space<hbm>>)
    %dma_start3A_273 = arith.constant 7 : i32
    %dma_start3A_274 = arith.constant 2 : i32
    %dma_start3A_275 = arith.constant 2 : i32
    %dma_start3A_276 = arith.constant 0 : i32
    %dma_start3A_277 = arith.constant 0 : i32
    %dma_start3A_278 = tpu.memref_slice %arg6[%dma_start3A_274, %dma_start3A_276, %dma_start3A_277] : memref<5x128x128xf32, #tpu.memory_space<vmem>> -> memref<1x128x128xf32, #tpu.memory_space<vmem>>
    %dma_start3A_279 = tpu.memref_squeeze %dma_start3A_278 : memref<1x128x128xf32, #tpu.memory_space<vmem>> -> memref<128x128xf32, #tpu.memory_space<vmem>>
    %dma_start3A_280 = arith.constant 0 : i32
    %dma_start3A_281 = tpu.memref_slice %arg5[%dma_start3A_273, %dma_start3A_280] : memref<50x128xi32, #tpu.memory_space<vmem>> -> memref<1x128xi32, #tpu.memory_space<vmem>>
    %dma_start3A_282 = tpu.memref_squeeze %dma_start3A_281 : memref<1x128xi32, #tpu.memory_space<vmem>> -> memref<128xi32, #tpu.memory_space<vmem>>
    %dma_start3A_283 = arith.constant 0 : i32
    %dma_start3A_284 = arith.constant 0 : i32
    %dma_start3A_285 = tpu.memref_slice %arg2[%dma_start3A_283, %dma_start3A_284] : memref<100000x128xf32, #tpu.memory_space<hbm>> -> memref<100000x128xf32, #tpu.memory_space<hbm>>
    %dma_start3A_286 = tpu.memref_slice %arg8[%dma_start3A_275] : memref<5x!tpu.dma_semaphore, #tpu.memory_space<semaphore_mem>> -> memref<1x!tpu.dma_semaphore, #tpu.memory_space<semaphore_mem>>
    %dma_start3A_287 = tpu.memref_squeeze %dma_start3A_286 : memref<1x!tpu.dma_semaphore, #tpu.memory_space<semaphore_mem>> -> memref<!tpu.dma_semaphore, #tpu.memory_space<semaphore_mem>>
    tpu.enqueue_indirect_dma source(%dma_start3A_285 : memref<100000x128xf32, #tpu.memory_space<hbm>>) target(%dma_start3A_279 : memref<128x128xf32, #tpu.memory_space<vmem>>) offsets(%dma_start3A_282 : memref<128xi32, #tpu.memory_space<vmem>>) semaphore(%dma_start3A_287 : memref<!tpu.dma_semaphore, #tpu.memory_space<semaphore_mem>>)
    %dma_wait3A_288 = arith.constant 3 : i32
    %dma_wait3A_289 = arith.constant 3 : i32
    %dma_wait3A_290 = arith.constant 3 : i32
    %dma_wait3A_291 = arith.constant 0 : i32
    %dma_wait3A_292 = arith.constant 0 : i32
    %dma_wait3A_293 = tpu.memref_slice %arg6[%dma_wait3A_289, %dma_wait3A_291, %dma_wait3A_292] : memref<5x128x128xf32, #tpu.memory_space<vmem>> -> memref<1x128x128xf32, #tpu.memory_space<vmem>>
    %dma_wait3A_294 = tpu.memref_squeeze %dma_wait3A_293 : memref<1x128x128xf32, #tpu.memory_space<vmem>> -> memref<128x128xf32, #tpu.memory_space<vmem>>
    %dma_wait3A_295 = arith.constant 0 : i32
    %dma_wait3A_296 = tpu.memref_slice %arg5[%dma_wait3A_288, %dma_wait3A_295] : memref<50x128xi32, #tpu.memory_space<vmem>> -> memref<1x128xi32, #tpu.memory_space<vmem>>
    %dma_wait3A_297 = tpu.memref_squeeze %dma_wait3A_296 : memref<1x128xi32, #tpu.memory_space<vmem>> -> memref<128xi32, #tpu.memory_space<vmem>>
    %dma_wait3A_298 = arith.constant 0 : i32
    %dma_wait3A_299 = arith.constant 0 : i32
    %dma_wait3A_300 = tpu.memref_slice %arg2[%dma_wait3A_298, %dma_wait3A_299] : memref<100000x128xf32, #tpu.memory_space<hbm>> -> memref<100000x128xf32, #tpu.memory_space<hbm>>
    %dma_wait3A_301 = tpu.memref_slice %arg8[%dma_wait3A_290] : memref<5x!tpu.dma_semaphore, #tpu.memory_space<semaphore_mem>> -> memref<1x!tpu.dma_semaphore, #tpu.memory_space<semaphore_mem>>
    %dma_wait3A_302 = tpu.memref_squeeze %dma_wait3A_301 : memref<1x!tpu.dma_semaphore, #tpu.memory_space<semaphore_mem>> -> memref<!tpu.dma_semaphore, #tpu.memory_space<semaphore_mem>>
    tpu.wait_indirect_dma semaphore(%dma_wait3A_302 : memref<!tpu.dma_semaphore, #tpu.memory_space<semaphore_mem>>) src(%dma_wait3A_300 : memref<100000x128xf32, #tpu.memory_space<hbm>>) dst(%dma_wait3A_294 : memref<128x128xf32, #tpu.memory_space<vmem>>)
    %add3A_303 = arith.constant 12288 : i32
    %add3A_304 = arith.addi %add3A_303, %multiple_of3A : i32
    %multiple_of3A_305 = tpu.assume_multiple %add3A_304, 128 : i32
    %dma_start3A_306 = arith.constant 3 : i32
    %dma_start3A_307 = arith.constant 3 : i32
    %dma_start3A_308 = arith.constant 0 : i32
    %dma_start3A_309 = arith.constant 0 : i32
    %dma_start3A_310 = tpu.memref_slice %arg6[%dma_start3A_306, %dma_start3A_308, %dma_start3A_309] : memref<5x128x128xf32, #tpu.memory_space<vmem>> -> memref<1x128x128xf32, #tpu.memory_space<vmem>>
    %dma_start3A_311 = tpu.memref_squeeze %dma_start3A_310 : memref<1x128x128xf32, #tpu.memory_space<vmem>> -> memref<128x128xf32, #tpu.memory_space<vmem>>
    %dma_start3A_312 = arith.constant 0 : i32
    %dma_start3A_313 = tpu.memref_slice %arg4[%multiple_of3A_305, %dma_start3A_312] : memref<204800x128xf32, #tpu.memory_space<hbm>> -> memref<128x128xf32, #tpu.memory_space<hbm>>
    %dma_start3A_314 = tpu.memref_slice %arg9[%dma_start3A_307] : memref<5x!tpu.dma_semaphore, #tpu.memory_space<semaphore_mem>> -> memref<1x!tpu.dma_semaphore, #tpu.memory_space<semaphore_mem>>
    %dma_start3A_315 = tpu.memref_squeeze %dma_start3A_314 : memref<1x!tpu.dma_semaphore, #tpu.memory_space<semaphore_mem>> -> memref<!tpu.dma_semaphore, #tpu.memory_space<semaphore_mem>>
    %dma_start3A_316 = arith.constant 0 : i32
    %dma_start3A_317 = tpu.memref_slice %arg4[%multiple_of3A_305, %dma_start3A_316] : memref<204800x128xf32, #tpu.memory_space<hbm>> -> memref<128x128xf32, #tpu.memory_space<hbm>>
    %dma_start3A_318 = arith.constant 0 : i32
    %dma_start3A_319 = arith.constant 0 : i32
    %dma_start3A_320 = tpu.memref_slice %arg6[%dma_start3A_306, %dma_start3A_318, %dma_start3A_319] : memref<5x128x128xf32, #tpu.memory_space<vmem>> -> memref<1x128x128xf32, #tpu.memory_space<vmem>>
    %dma_start3A_321 = tpu.memref_squeeze %dma_start3A_320 : memref<1x128x128xf32, #tpu.memory_space<vmem>> -> memref<128x128xf32, #tpu.memory_space<vmem>>
    tpu.enqueue_dma source(%dma_start3A_321 : memref<128x128xf32, #tpu.memory_space<vmem>>) target(%dma_start3A_317 : memref<128x128xf32, #tpu.memory_space<hbm>>) target_semaphore(%dma_start3A_315 : memref<!tpu.dma_semaphore, #tpu.memory_space<semaphore_mem>>)
    %add3A_322 = arith.constant 12288 : i32
    %add3A_323 = arith.addi %add3A_322, %multiple_of3A : i32
    %multiple_of3A_324 = tpu.assume_multiple %add3A_323, 128 : i32
    %dma_wait3A_325 = arith.constant 3 : i32
    %dma_wait3A_326 = arith.constant 3 : i32
    %dma_wait3A_327 = arith.constant 0 : i32
    %dma_wait3A_328 = arith.constant 0 : i32
    %dma_wait3A_329 = tpu.memref_slice %arg6[%dma_wait3A_325, %dma_wait3A_327, %dma_wait3A_328] : memref<5x128x128xf32, #tpu.memory_space<vmem>> -> memref<1x128x128xf32, #tpu.memory_space<vmem>>
    %dma_wait3A_330 = tpu.memref_squeeze %dma_wait3A_329 : memref<1x128x128xf32, #tpu.memory_space<vmem>> -> memref<128x128xf32, #tpu.memory_space<vmem>>
    %dma_wait3A_331 = arith.constant 0 : i32
    %dma_wait3A_332 = tpu.memref_slice %arg4[%multiple_of3A_324, %dma_wait3A_331] : memref<204800x128xf32, #tpu.memory_space<hbm>> -> memref<128x128xf32, #tpu.memory_space<hbm>>
    %dma_wait3A_333 = tpu.memref_slice %arg9[%dma_wait3A_326] : memref<5x!tpu.dma_semaphore, #tpu.memory_space<semaphore_mem>> -> memref<1x!tpu.dma_semaphore, #tpu.memory_space<semaphore_mem>>
    %dma_wait3A_334 = tpu.memref_squeeze %dma_wait3A_333 : memref<1x!tpu.dma_semaphore, #tpu.memory_space<semaphore_mem>> -> memref<!tpu.dma_semaphore, #tpu.memory_space<semaphore_mem>>
    %dma_wait3A_335 = arith.constant 0 : i32
    %dma_wait3A_336 = tpu.memref_slice %arg4[%multiple_of3A_324, %dma_wait3A_335] : memref<204800x128xf32, #tpu.memory_space<hbm>> -> memref<128x128xf32, #tpu.memory_space<hbm>>
    %dma_wait3A_337 = arith.constant 0 : i32
    %dma_wait3A_338 = arith.constant 0 : i32
    %dma_wait3A_339 = tpu.memref_slice %arg6[%dma_wait3A_325, %dma_wait3A_337, %dma_wait3A_338] : memref<5x128x128xf32, #tpu.memory_space<vmem>> -> memref<1x128x128xf32, #tpu.memory_space<vmem>>
    %dma_wait3A_340 = tpu.memref_squeeze %dma_wait3A_339 : memref<1x128x128xf32, #tpu.memory_space<vmem>> -> memref<128x128xf32, #tpu.memory_space<vmem>>
    tpu.wait_dma2 semaphore(%dma_wait3A_334 : memref<!tpu.dma_semaphore, #tpu.memory_space<semaphore_mem>>) src(%dma_wait3A_340 : memref<128x128xf32, #tpu.memory_space<vmem>>) dst(%dma_wait3A_336 : memref<128x128xf32, #tpu.memory_space<hbm>>)
    %dma_start3A_341 = arith.constant 8 : i32
    %dma_start3A_342 = arith.constant 3 : i32
    %dma_start3A_343 = arith.constant 3 : i32
    %dma_start3A_344 = arith.constant 0 : i32
    %dma_start3A_345 = arith.constant 0 : i32
    %dma_start3A_346 = tpu.memref_slice %arg6[%dma_start3A_342, %dma_start3A_344, %dma_start3A_345] : memref<5x128x128xf32, #tpu.memory_space<vmem>> -> memref<1x128x128xf32, #tpu.memory_space<vmem>>
    %dma_start3A_347 = tpu.memref_squeeze %dma_start3A_346 : memref<1x128x128xf32, #tpu.memory_space<vmem>> -> memref<128x128xf32, #tpu.memory_space<vmem>>
    %dma_start3A_348 = arith.constant 0 : i32
    %dma_start3A_349 = tpu.memref_slice %arg5[%dma_start3A_341, %dma_start3A_348] : memref<50x128xi32, #tpu.memory_space<vmem>> -> memref<1x128xi32, #tpu.memory_space<vmem>>
    %dma_start3A_350 = tpu.memref_squeeze %dma_start3A_349 : memref<1x128xi32, #tpu.memory_space<vmem>> -> memref<128xi32, #tpu.memory_space<vmem>>
    %dma_start3A_351 = arith.constant 0 : i32
    %dma_start3A_352 = arith.constant 0 : i32
    %dma_start3A_353 = tpu.memref_slice %arg2[%dma_start3A_351, %dma_start3A_352] : memref<100000x128xf32, #tpu.memory_space<hbm>> -> memref<100000x128xf32, #tpu.memory_space<hbm>>
    %dma_start3A_354 = tpu.memref_slice %arg8[%dma_start3A_343] : memref<5x!tpu.dma_semaphore, #tpu.memory_space<semaphore_mem>> -> memref<1x!tpu.dma_semaphore, #tpu.memory_space<semaphore_mem>>
    %dma_start3A_355 = tpu.memref_squeeze %dma_start3A_354 : memref<1x!tpu.dma_semaphore, #tpu.memory_space<semaphore_mem>> -> memref<!tpu.dma_semaphore, #tpu.memory_space<semaphore_mem>>
    tpu.enqueue_indirect_dma source(%dma_start3A_353 : memref<100000x128xf32, #tpu.memory_space<hbm>>) target(%dma_start3A_347 : memref<128x128xf32, #tpu.memory_space<vmem>>) offsets(%dma_start3A_350 : memref<128xi32, #tpu.memory_space<vmem>>) semaphore(%dma_start3A_355 : memref<!tpu.dma_semaphore, #tpu.memory_space<semaphore_mem>>)
    %dma_wait3A_356 = arith.constant 4 : i32
    %dma_wait3A_357 = arith.constant 4 : i32
    %dma_wait3A_358 = arith.constant 4 : i32
    %dma_wait3A_359 = arith.constant 0 : i32
    %dma_wait3A_360 = arith.constant 0 : i32
    %dma_wait3A_361 = tpu.memref_slice %arg6[%dma_wait3A_357, %dma_wait3A_359, %dma_wait3A_360] : memref<5x128x128xf32, #tpu.memory_space<vmem>> -> memref<1x128x128xf32, #tpu.memory_space<vmem>>
    %dma_wait3A_362 = tpu.memref_squeeze %dma_wait3A_361 : memref<1x128x128xf32, #tpu.memory_space<vmem>> -> memref<128x128xf32, #tpu.memory_space<vmem>>
    %dma_wait3A_363 = arith.constant 0 : i32
    %dma_wait3A_364 = tpu.memref_slice %arg5[%dma_wait3A_356, %dma_wait3A_363] : memref<50x128xi32, #tpu.memory_space<vmem>> -> memref<1x128xi32, #tpu.memory_space<vmem>>
    %dma_wait3A_365 = tpu.memref_squeeze %dma_wait3A_364 : memref<1x128xi32, #tpu.memory_space<vmem>> -> memref<128xi32, #tpu.memory_space<vmem>>
    %dma_wait3A_366 = arith.constant 0 : i32
    %dma_wait3A_367 = arith.constant 0 : i32
    %dma_wait3A_368 = tpu.memref_slice %arg2[%dma_wait3A_366, %dma_wait3A_367] : memref<100000x128xf32, #tpu.memory_space<hbm>> -> memref<100000x128xf32, #tpu.memory_space<hbm>>
    %dma_wait3A_369 = tpu.memref_slice %arg8[%dma_wait3A_358] : memref<5x!tpu.dma_semaphore, #tpu.memory_space<semaphore_mem>> -> memref<1x!tpu.dma_semaphore, #tpu.memory_space<semaphore_mem>>
    %dma_wait3A_370 = tpu.memref_squeeze %dma_wait3A_369 : memref<1x!tpu.dma_semaphore, #tpu.memory_space<semaphore_mem>> -> memref<!tpu.dma_semaphore, #tpu.memory_space<semaphore_mem>>
    tpu.wait_indirect_dma semaphore(%dma_wait3A_370 : memref<!tpu.dma_semaphore, #tpu.memory_space<semaphore_mem>>) src(%dma_wait3A_368 : memref<100000x128xf32, #tpu.memory_space<hbm>>) dst(%dma_wait3A_362 : memref<128x128xf32, #tpu.memory_space<vmem>>)
    %add3A_371 = arith.constant 16384 : i32
    %add3A_372 = arith.addi %add3A_371, %multiple_of3A : i32
    %multiple_of3A_373 = tpu.assume_multiple %add3A_372, 128 : i32
    %dma_start3A_374 = arith.constant 4 : i32
    %dma_start3A_375 = arith.constant 4 : i32
    %dma_start3A_376 = arith.constant 0 : i32
    %dma_start3A_377 = arith.constant 0 : i32
    %dma_start3A_378 = tpu.memref_slice %arg6[%dma_start3A_374, %dma_start3A_376, %dma_start3A_377] : memref<5x128x128xf32, #tpu.memory_space<vmem>> -> memref<1x128x128xf32, #tpu.memory_space<vmem>>
    %dma_start3A_379 = tpu.memref_squeeze %dma_start3A_378 : memref<1x128x128xf32, #tpu.memory_space<vmem>> -> memref<128x128xf32, #tpu.memory_space<vmem>>
    %dma_start3A_380 = arith.constant 0 : i32
    %dma_start3A_381 = tpu.memref_slice %arg4[%multiple_of3A_373, %dma_start3A_380] : memref<204800x128xf32, #tpu.memory_space<hbm>> -> memref<128x128xf32, #tpu.memory_space<hbm>>
    %dma_start3A_382 = tpu.memref_slice %arg9[%dma_start3A_375] : memref<5x!tpu.dma_semaphore, #tpu.memory_space<semaphore_mem>> -> memref<1x!tpu.dma_semaphore, #tpu.memory_space<semaphore_mem>>
    %dma_start3A_383 = tpu.memref_squeeze %dma_start3A_382 : memref<1x!tpu.dma_semaphore, #tpu.memory_space<semaphore_mem>> -> memref<!tpu.dma_semaphore, #tpu.memory_space<semaphore_mem>>
    %dma_start3A_384 = arith.constant 0 : i32
    %dma_start3A_385 = tpu.memref_slice %arg4[%multiple_of3A_373, %dma_start3A_384] : memref<204800x128xf32, #tpu.memory_space<hbm>> -> memref<128x128xf32, #tpu.memory_space<hbm>>
    %dma_start3A_386 = arith.constant 0 : i32
    %dma_start3A_387 = arith.constant 0 : i32
    %dma_start3A_388 = tpu.memref_slice %arg6[%dma_start3A_374, %dma_start3A_386, %dma_start3A_387] : memref<5x128x128xf32, #tpu.memory_space<vmem>> -> memref<1x128x128xf32, #tpu.memory_space<vmem>>
    %dma_start3A_389 = tpu.memref_squeeze %dma_start3A_388 : memref<1x128x128xf32, #tpu.memory_space<vmem>> -> memref<128x128xf32, #tpu.memory_space<vmem>>
    tpu.enqueue_dma source(%dma_start3A_389 : memref<128x128xf32, #tpu.memory_space<vmem>>) target(%dma_start3A_385 : memref<128x128xf32, #tpu.memory_space<hbm>>) target_semaphore(%dma_start3A_383 : memref<!tpu.dma_semaphore, #tpu.memory_space<semaphore_mem>>)
    %scan3A = arith.constant 0 : i32
    %scan3A_390 = arith.constant 8 : i32
    %scan3A_391 = arith.addi %scan3A, %scan3A_390 : i32
    %scan3A_392 = arith.constant 1 : i32
    scf.for %scan3A_693 = %scan3A to %scan3A_391 step %scan3A_392  : i32 {
      %mul3A_694 = arith.constant 5 : i32
      %mul3A_695 = arith.muli %scan3A_693, %mul3A_694 : i32
      %add3A_696 = arith.constant 5 : i32
      %add3A_697 = arith.addi %add3A_696, %mul3A_695 : i32
      %add3A_698 = arith.constant 0 : i32
      %add3A_699 = arith.addi %add3A_697, %add3A_698 : i32
      %sub3A = arith.constant 1 : i32
      %sub3A_700 = arith.subi %add3A_699, %sub3A : i32
      %mul3A_701 = arith.constant 4096 : i32
      %mul3A_702 = arith.muli %sub3A_700, %mul3A_701 : i32
      %add3A_703 = arith.addi %mul3A_702, %multiple_of3A : i32
      %multiple_of3A_704 = tpu.assume_multiple %add3A_703, 128 : i32
      %dma_wait3A_705 = arith.constant 4 : i32
      %dma_wait3A_706 = arith.constant 4 : i32
      %dma_wait3A_707 = arith.constant 0 : i32
      %dma_wait3A_708 = arith.constant 0 : i32
      %dma_wait3A_709 = tpu.memref_slice %arg6[%dma_wait3A_705, %dma_wait3A_707, %dma_wait3A_708] : memref<5x128x128xf32, #tpu.memory_space<vmem>> -> memref<1x128x128xf32, #tpu.memory_space<vmem>>
      %dma_wait3A_710 = tpu.memref_squeeze %dma_wait3A_709 : memref<1x128x128xf32, #tpu.memory_space<vmem>> -> memref<128x128xf32, #tpu.memory_space<vmem>>
      %dma_wait3A_711 = arith.constant 0 : i32
      %dma_wait3A_712 = tpu.memref_slice %arg4[%multiple_of3A_704, %dma_wait3A_711] : memref<204800x128xf32, #tpu.memory_space<hbm>> -> memref<128x128xf32, #tpu.memory_space<hbm>>
      %dma_wait3A_713 = tpu.memref_slice %arg9[%dma_wait3A_706] : memref<5x!tpu.dma_semaphore, #tpu.memory_space<semaphore_mem>> -> memref<1x!tpu.dma_semaphore, #tpu.memory_space<semaphore_mem>>
      %dma_wait3A_714 = tpu.memref_squeeze %dma_wait3A_713 : memref<1x!tpu.dma_semaphore, #tpu.memory_space<semaphore_mem>> -> memref<!tpu.dma_semaphore, #tpu.memory_space<semaphore_mem>>
      %dma_wait3A_715 = arith.constant 0 : i32
      %dma_wait3A_716 = tpu.memref_slice %arg4[%multiple_of3A_704, %dma_wait3A_715] : memref<204800x128xf32, #tpu.memory_space<hbm>> -> memref<128x128xf32, #tpu.memory_space<hbm>>
      %dma_wait3A_717 = arith.constant 0 : i32
      %dma_wait3A_718 = arith.constant 0 : i32
      %dma_wait3A_719 = tpu.memref_slice %arg6[%dma_wait3A_705, %dma_wait3A_717, %dma_wait3A_718] : memref<5x128x128xf32, #tpu.memory_space<vmem>> -> memref<1x128x128xf32, #tpu.memory_space<vmem>>
      %dma_wait3A_720 = tpu.memref_squeeze %dma_wait3A_719 : memref<1x128x128xf32, #tpu.memory_space<vmem>> -> memref<128x128xf32, #tpu.memory_space<vmem>>
      tpu.wait_dma2 semaphore(%dma_wait3A_714 : memref<!tpu.dma_semaphore, #tpu.memory_space<semaphore_mem>>) src(%dma_wait3A_720 : memref<128x128xf32, #tpu.memory_space<vmem>>) dst(%dma_wait3A_716 : memref<128x128xf32, #tpu.memory_space<hbm>>)
      %add3A_721 = arith.constant 4 : i32
      %add3A_722 = arith.addi %add3A_699, %add3A_721 : i32
      %dma_start3A_723 = arith.constant 4 : i32
      %dma_start3A_724 = arith.constant 4 : i32
      %dma_start3A_725 = arith.constant 0 : i32
      %dma_start3A_726 = arith.constant 0 : i32
      %dma_start3A_727 = tpu.memref_slice %arg6[%dma_start3A_723, %dma_start3A_725, %dma_start3A_726] : memref<5x128x128xf32, #tpu.memory_space<vmem>> -> memref<1x128x128xf32, #tpu.memory_space<vmem>>
      %dma_start3A_728 = tpu.memref_squeeze %dma_start3A_727 : memref<1x128x128xf32, #tpu.memory_space<vmem>> -> memref<128x128xf32, #tpu.memory_space<vmem>>
      %dma_start3A_729 = arith.constant 0 : i32
      %dma_start3A_730 = tpu.memref_slice %arg5[%add3A_722, %dma_start3A_729] : memref<50x128xi32, #tpu.memory_space<vmem>> -> memref<1x128xi32, #tpu.memory_space<vmem>>
      %dma_start3A_731 = tpu.memref_squeeze %dma_start3A_730 : memref<1x128xi32, #tpu.memory_space<vmem>> -> memref<128xi32, #tpu.memory_space<vmem>>
      %dma_start3A_732 = arith.constant 0 : i32
      %dma_start3A_733 = arith.constant 0 : i32
      %dma_start3A_734 = tpu.memref_slice %arg2[%dma_start3A_732, %dma_start3A_733] : memref<100000x128xf32, #tpu.memory_space<hbm>> -> memref<100000x128xf32, #tpu.memory_space<hbm>>
      %dma_start3A_735 = tpu.memref_slice %arg8[%dma_start3A_724] : memref<5x!tpu.dma_semaphore, #tpu.memory_space<semaphore_mem>> -> memref<1x!tpu.dma_semaphore, #tpu.memory_space<semaphore_mem>>
      %dma_start3A_736 = tpu.memref_squeeze %dma_start3A_735 : memref<1x!tpu.dma_semaphore, #tpu.memory_space<semaphore_mem>> -> memref<!tpu.dma_semaphore, #tpu.memory_space<semaphore_mem>>
      tpu.enqueue_indirect_dma source(%dma_start3A_734 : memref<100000x128xf32, #tpu.memory_space<hbm>>) target(%dma_start3A_728 : memref<128x128xf32, #tpu.memory_space<vmem>>) offsets(%dma_start3A_731 : memref<128xi32, #tpu.memory_space<vmem>>) semaphore(%dma_start3A_736 : memref<!tpu.dma_semaphore, #tpu.memory_space<semaphore_mem>>)
      %dma_wait3A_737 = arith.constant 0 : i32
      %dma_wait3A_738 = arith.constant 0 : i32
      %dma_wait3A_739 = arith.constant 0 : i32
      %dma_wait3A_740 = arith.constant 0 : i32
      %dma_wait3A_741 = tpu.memref_slice %arg6[%dma_wait3A_737, %dma_wait3A_739, %dma_wait3A_740] : memref<5x128x128xf32, #tpu.memory_space<vmem>> -> memref<1x128x128xf32, #tpu.memory_space<vmem>>
      %dma_wait3A_742 = tpu.memref_squeeze %dma_wait3A_741 : memref<1x128x128xf32, #tpu.memory_space<vmem>> -> memref<128x128xf32, #tpu.memory_space<vmem>>
      %dma_wait3A_743 = arith.constant 0 : i32
      %dma_wait3A_744 = tpu.memref_slice %arg5[%add3A_699, %dma_wait3A_743] : memref<50x128xi32, #tpu.memory_space<vmem>> -> memref<1x128xi32, #tpu.memory_space<vmem>>
      %dma_wait3A_745 = tpu.memref_squeeze %dma_wait3A_744 : memref<1x128xi32, #tpu.memory_space<vmem>> -> memref<128xi32, #tpu.memory_space<vmem>>
      %dma_wait3A_746 = arith.constant 0 : i32
      %dma_wait3A_747 = arith.constant 0 : i32
      %dma_wait3A_748 = tpu.memref_slice %arg2[%dma_wait3A_746, %dma_wait3A_747] : memref<100000x128xf32, #tpu.memory_space<hbm>> -> memref<100000x128xf32, #tpu.memory_space<hbm>>
      %dma_wait3A_749 = tpu.memref_slice %arg8[%dma_wait3A_738] : memref<5x!tpu.dma_semaphore, #tpu.memory_space<semaphore_mem>> -> memref<1x!tpu.dma_semaphore, #tpu.memory_space<semaphore_mem>>
      %dma_wait3A_750 = tpu.memref_squeeze %dma_wait3A_749 : memref<1x!tpu.dma_semaphore, #tpu.memory_space<semaphore_mem>> -> memref<!tpu.dma_semaphore, #tpu.memory_space<semaphore_mem>>
      tpu.wait_indirect_dma semaphore(%dma_wait3A_750 : memref<!tpu.dma_semaphore, #tpu.memory_space<semaphore_mem>>) src(%dma_wait3A_748 : memref<100000x128xf32, #tpu.memory_space<hbm>>) dst(%dma_wait3A_742 : memref<128x128xf32, #tpu.memory_space<vmem>>)
      %mul3A_751 = arith.constant 4096 : i32
      %mul3A_752 = arith.muli %add3A_699, %mul3A_751 : i32
      %add3A_753 = arith.addi %mul3A_752, %multiple_of3A : i32
      %multiple_of3A_754 = tpu.assume_multiple %add3A_753, 128 : i32
      %dma_start3A_755 = arith.constant 0 : i32
      %dma_start3A_756 = arith.constant 0 : i32
      %dma_start3A_757 = arith.constant 0 : i32
      %dma_start3A_758 = arith.constant 0 : i32
      %dma_start3A_759 = tpu.memref_slice %arg6[%dma_start3A_755, %dma_start3A_757, %dma_start3A_758] : memref<5x128x128xf32, #tpu.memory_space<vmem>> -> memref<1x128x128xf32, #tpu.memory_space<vmem>>
      %dma_start3A_760 = tpu.memref_squeeze %dma_start3A_759 : memref<1x128x128xf32, #tpu.memory_space<vmem>> -> memref<128x128xf32, #tpu.memory_space<vmem>>
      %dma_start3A_761 = arith.constant 0 : i32
      %dma_start3A_762 = tpu.memref_slice %arg4[%multiple_of3A_754, %dma_start3A_761] : memref<204800x128xf32, #tpu.memory_space<hbm>> -> memref<128x128xf32, #tpu.memory_space<hbm>>
      %dma_start3A_763 = tpu.memref_slice %arg9[%dma_start3A_756] : memref<5x!tpu.dma_semaphore, #tpu.memory_space<semaphore_mem>> -> memref<1x!tpu.dma_semaphore, #tpu.memory_space<semaphore_mem>>
      %dma_start3A_764 = tpu.memref_squeeze %dma_start3A_763 : memref<1x!tpu.dma_semaphore, #tpu.memory_space<semaphore_mem>> -> memref<!tpu.dma_semaphore, #tpu.memory_space<semaphore_mem>>
      %dma_start3A_765 = arith.constant 0 : i32
      %dma_start3A_766 = tpu.memref_slice %arg4[%multiple_of3A_754, %dma_start3A_765] : memref<204800x128xf32, #tpu.memory_space<hbm>> -> memref<128x128xf32, #tpu.memory_space<hbm>>
      %dma_start3A_767 = arith.constant 0 : i32
      %dma_start3A_768 = arith.constant 0 : i32
      %dma_start3A_769 = tpu.memref_slice %arg6[%dma_start3A_755, %dma_start3A_767, %dma_start3A_768] : memref<5x128x128xf32, #tpu.memory_space<vmem>> -> memref<1x128x128xf32, #tpu.memory_space<vmem>>
      %dma_start3A_770 = tpu.memref_squeeze %dma_start3A_769 : memref<1x128x128xf32, #tpu.memory_space<vmem>> -> memref<128x128xf32, #tpu.memory_space<vmem>>
      tpu.enqueue_dma source(%dma_start3A_770 : memref<128x128xf32, #tpu.memory_space<vmem>>) target(%dma_start3A_766 : memref<128x128xf32, #tpu.memory_space<hbm>>) target_semaphore(%dma_start3A_764 : memref<!tpu.dma_semaphore, #tpu.memory_space<semaphore_mem>>)
      %add3A_771 = arith.constant 1 : i32
      %add3A_772 = arith.addi %add3A_697, %add3A_771 : i32
      %sub3A_773 = arith.constant 1 : i32
      %sub3A_774 = arith.subi %add3A_772, %sub3A_773 : i32
      %mul3A_775 = arith.constant 4096 : i32
      %mul3A_776 = arith.muli %sub3A_774, %mul3A_775 : i32
      %add3A_777 = arith.addi %mul3A_776, %multiple_of3A : i32
      %multiple_of3A_778 = tpu.assume_multiple %add3A_777, 128 : i32
      %dma_wait3A_779 = arith.constant 0 : i32
      %dma_wait3A_780 = arith.constant 0 : i32
      %dma_wait3A_781 = arith.constant 0 : i32
      %dma_wait3A_782 = arith.constant 0 : i32
      %dma_wait3A_783 = tpu.memref_slice %arg6[%dma_wait3A_779, %dma_wait3A_781, %dma_wait3A_782] : memref<5x128x128xf32, #tpu.memory_space<vmem>> -> memref<1x128x128xf32, #tpu.memory_space<vmem>>
      %dma_wait3A_784 = tpu.memref_squeeze %dma_wait3A_783 : memref<1x128x128xf32, #tpu.memory_space<vmem>> -> memref<128x128xf32, #tpu.memory_space<vmem>>
      %dma_wait3A_785 = arith.constant 0 : i32
      %dma_wait3A_786 = tpu.memref_slice %arg4[%multiple_of3A_778, %dma_wait3A_785] : memref<204800x128xf32, #tpu.memory_space<hbm>> -> memref<128x128xf32, #tpu.memory_space<hbm>>
      %dma_wait3A_787 = tpu.memref_slice %arg9[%dma_wait3A_780] : memref<5x!tpu.dma_semaphore, #tpu.memory_space<semaphore_mem>> -> memref<1x!tpu.dma_semaphore, #tpu.memory_space<semaphore_mem>>
      %dma_wait3A_788 = tpu.memref_squeeze %dma_wait3A_787 : memref<1x!tpu.dma_semaphore, #tpu.memory_space<semaphore_mem>> -> memref<!tpu.dma_semaphore, #tpu.memory_space<semaphore_mem>>
      %dma_wait3A_789 = arith.constant 0 : i32
      %dma_wait3A_790 = tpu.memref_slice %arg4[%multiple_of3A_778, %dma_wait3A_789] : memref<204800x128xf32, #tpu.memory_space<hbm>> -> memref<128x128xf32, #tpu.memory_space<hbm>>
      %dma_wait3A_791 = arith.constant 0 : i32
      %dma_wait3A_792 = arith.constant 0 : i32
      %dma_wait3A_793 = tpu.memref_slice %arg6[%dma_wait3A_779, %dma_wait3A_791, %dma_wait3A_792] : memref<5x128x128xf32, #tpu.memory_space<vmem>> -> memref<1x128x128xf32, #tpu.memory_space<vmem>>
      %dma_wait3A_794 = tpu.memref_squeeze %dma_wait3A_793 : memref<1x128x128xf32, #tpu.memory_space<vmem>> -> memref<128x128xf32, #tpu.memory_space<vmem>>
      tpu.wait_dma2 semaphore(%dma_wait3A_788 : memref<!tpu.dma_semaphore, #tpu.memory_space<semaphore_mem>>) src(%dma_wait3A_794 : memref<128x128xf32, #tpu.memory_space<vmem>>) dst(%dma_wait3A_790 : memref<128x128xf32, #tpu.memory_space<hbm>>)
      %add3A_795 = arith.constant 4 : i32
      %add3A_796 = arith.addi %add3A_772, %add3A_795 : i32
      %dma_start3A_797 = arith.constant 0 : i32
      %dma_start3A_798 = arith.constant 0 : i32
      %dma_start3A_799 = arith.constant 0 : i32
      %dma_start3A_800 = arith.constant 0 : i32
      %dma_start3A_801 = tpu.memref_slice %arg6[%dma_start3A_797, %dma_start3A_799, %dma_start3A_800] : memref<5x128x128xf32, #tpu.memory_space<vmem>> -> memref<1x128x128xf32, #tpu.memory_space<vmem>>
      %dma_start3A_802 = tpu.memref_squeeze %dma_start3A_801 : memref<1x128x128xf32, #tpu.memory_space<vmem>> -> memref<128x128xf32, #tpu.memory_space<vmem>>
      %dma_start3A_803 = arith.constant 0 : i32
      %dma_start3A_804 = tpu.memref_slice %arg5[%add3A_796, %dma_start3A_803] : memref<50x128xi32, #tpu.memory_space<vmem>> -> memref<1x128xi32, #tpu.memory_space<vmem>>
      %dma_start3A_805 = tpu.memref_squeeze %dma_start3A_804 : memref<1x128xi32, #tpu.memory_space<vmem>> -> memref<128xi32, #tpu.memory_space<vmem>>
      %dma_start3A_806 = arith.constant 0 : i32
      %dma_start3A_807 = arith.constant 0 : i32
      %dma_start3A_808 = tpu.memref_slice %arg2[%dma_start3A_806, %dma_start3A_807] : memref<100000x128xf32, #tpu.memory_space<hbm>> -> memref<100000x128xf32, #tpu.memory_space<hbm>>
      %dma_start3A_809 = tpu.memref_slice %arg8[%dma_start3A_798] : memref<5x!tpu.dma_semaphore, #tpu.memory_space<semaphore_mem>> -> memref<1x!tpu.dma_semaphore, #tpu.memory_space<semaphore_mem>>
      %dma_start3A_810 = tpu.memref_squeeze %dma_start3A_809 : memref<1x!tpu.dma_semaphore, #tpu.memory_space<semaphore_mem>> -> memref<!tpu.dma_semaphore, #tpu.memory_space<semaphore_mem>>
      tpu.enqueue_indirect_dma source(%dma_start3A_808 : memref<100000x128xf32, #tpu.memory_space<hbm>>) target(%dma_start3A_802 : memref<128x128xf32, #tpu.memory_space<vmem>>) offsets(%dma_start3A_805 : memref<128xi32, #tpu.memory_space<vmem>>) semaphore(%dma_start3A_810 : memref<!tpu.dma_semaphore, #tpu.memory_space<semaphore_mem>>)
      %dma_wait3A_811 = arith.constant 1 : i32
      %dma_wait3A_812 = arith.constant 1 : i32
      %dma_wait3A_813 = arith.constant 0 : i32
      %dma_wait3A_814 = arith.constant 0 : i32
      %dma_wait3A_815 = tpu.memref_slice %arg6[%dma_wait3A_811, %dma_wait3A_813, %dma_wait3A_814] : memref<5x128x128xf32, #tpu.memory_space<vmem>> -> memref<1x128x128xf32, #tpu.memory_space<vmem>>
      %dma_wait3A_816 = tpu.memref_squeeze %dma_wait3A_815 : memref<1x128x128xf32, #tpu.memory_space<vmem>> -> memref<128x128xf32, #tpu.memory_space<vmem>>
      %dma_wait3A_817 = arith.constant 0 : i32
      %dma_wait3A_818 = tpu.memref_slice %arg5[%add3A_772, %dma_wait3A_817] : memref<50x128xi32, #tpu.memory_space<vmem>> -> memref<1x128xi32, #tpu.memory_space<vmem>>
      %dma_wait3A_819 = tpu.memref_squeeze %dma_wait3A_818 : memref<1x128xi32, #tpu.memory_space<vmem>> -> memref<128xi32, #tpu.memory_space<vmem>>
      %dma_wait3A_820 = arith.constant 0 : i32
      %dma_wait3A_821 = arith.constant 0 : i32
      %dma_wait3A_822 = tpu.memref_slice %arg2[%dma_wait3A_820, %dma_wait3A_821] : memref<100000x128xf32, #tpu.memory_space<hbm>> -> memref<100000x128xf32, #tpu.memory_space<hbm>>
      %dma_wait3A_823 = tpu.memref_slice %arg8[%dma_wait3A_812] : memref<5x!tpu.dma_semaphore, #tpu.memory_space<semaphore_mem>> -> memref<1x!tpu.dma_semaphore, #tpu.memory_space<semaphore_mem>>
      %dma_wait3A_824 = tpu.memref_squeeze %dma_wait3A_823 : memref<1x!tpu.dma_semaphore, #tpu.memory_space<semaphore_mem>> -> memref<!tpu.dma_semaphore, #tpu.memory_space<semaphore_mem>>
      tpu.wait_indirect_dma semaphore(%dma_wait3A_824 : memref<!tpu.dma_semaphore, #tpu.memory_space<semaphore_mem>>) src(%dma_wait3A_822 : memref<100000x128xf32, #tpu.memory_space<hbm>>) dst(%dma_wait3A_816 : memref<128x128xf32, #tpu.memory_space<vmem>>)
      %mul3A_825 = arith.constant 4096 : i32
      %mul3A_826 = arith.muli %add3A_772, %mul3A_825 : i32
      %add3A_827 = arith.addi %mul3A_826, %multiple_of3A : i32
      %multiple_of3A_828 = tpu.assume_multiple %add3A_827, 128 : i32
      %dma_start3A_829 = arith.constant 1 : i32
      %dma_start3A_830 = arith.constant 1 : i32
      %dma_start3A_831 = arith.constant 0 : i32
      %dma_start3A_832 = arith.constant 0 : i32
      %dma_start3A_833 = tpu.memref_slice %arg6[%dma_start3A_829, %dma_start3A_831, %dma_start3A_832] : memref<5x128x128xf32, #tpu.memory_space<vmem>> -> memref<1x128x128xf32, #tpu.memory_space<vmem>>
      %dma_start3A_834 = tpu.memref_squeeze %dma_start3A_833 : memref<1x128x128xf32, #tpu.memory_space<vmem>> -> memref<128x128xf32, #tpu.memory_space<vmem>>
      %dma_start3A_835 = arith.constant 0 : i32
      %dma_start3A_836 = tpu.memref_slice %arg4[%multiple_of3A_828, %dma_start3A_835] : memref<204800x128xf32, #tpu.memory_space<hbm>> -> memref<128x128xf32, #tpu.memory_space<hbm>>
      %dma_start3A_837 = tpu.memref_slice %arg9[%dma_start3A_830] : memref<5x!tpu.dma_semaphore, #tpu.memory_space<semaphore_mem>> -> memref<1x!tpu.dma_semaphore, #tpu.memory_space<semaphore_mem>>
      %dma_start3A_838 = tpu.memref_squeeze %dma_start3A_837 : memref<1x!tpu.dma_semaphore, #tpu.memory_space<semaphore_mem>> -> memref<!tpu.dma_semaphore, #tpu.memory_space<semaphore_mem>>
      %dma_start3A_839 = arith.constant 0 : i32
      %dma_start3A_840 = tpu.memref_slice %arg4[%multiple_of3A_828, %dma_start3A_839] : memref<204800x128xf32, #tpu.memory_space<hbm>> -> memref<128x128xf32, #tpu.memory_space<hbm>>
      %dma_start3A_841 = arith.constant 0 : i32
      %dma_start3A_842 = arith.constant 0 : i32
      %dma_start3A_843 = tpu.memref_slice %arg6[%dma_start3A_829, %dma_start3A_841, %dma_start3A_842] : memref<5x128x128xf32, #tpu.memory_space<vmem>> -> memref<1x128x128xf32, #tpu.memory_space<vmem>>
      %dma_start3A_844 = tpu.memref_squeeze %dma_start3A_843 : memref<1x128x128xf32, #tpu.memory_space<vmem>> -> memref<128x128xf32, #tpu.memory_space<vmem>>
      tpu.enqueue_dma source(%dma_start3A_844 : memref<128x128xf32, #tpu.memory_space<vmem>>) target(%dma_start3A_840 : memref<128x128xf32, #tpu.memory_space<hbm>>) target_semaphore(%dma_start3A_838 : memref<!tpu.dma_semaphore, #tpu.memory_space<semaphore_mem>>)
      %add3A_845 = arith.constant 2 : i32
      %add3A_846 = arith.addi %add3A_697, %add3A_845 : i32
      %sub3A_847 = arith.constant 1 : i32
      %sub3A_848 = arith.subi %add3A_846, %sub3A_847 : i32
      %mul3A_849 = arith.constant 4096 : i32
      %mul3A_850 = arith.muli %sub3A_848, %mul3A_849 : i32
      %add3A_851 = arith.addi %mul3A_850, %multiple_of3A : i32
      %multiple_of3A_852 = tpu.assume_multiple %add3A_851, 128 : i32
      %dma_wait3A_853 = arith.constant 1 : i32
      %dma_wait3A_854 = arith.constant 1 : i32
      %dma_wait3A_855 = arith.constant 0 : i32
      %dma_wait3A_856 = arith.constant 0 : i32
      %dma_wait3A_857 = tpu.memref_slice %arg6[%dma_wait3A_853, %dma_wait3A_855, %dma_wait3A_856] : memref<5x128x128xf32, #tpu.memory_space<vmem>> -> memref<1x128x128xf32, #tpu.memory_space<vmem>>
      %dma_wait3A_858 = tpu.memref_squeeze %dma_wait3A_857 : memref<1x128x128xf32, #tpu.memory_space<vmem>> -> memref<128x128xf32, #tpu.memory_space<vmem>>
      %dma_wait3A_859 = arith.constant 0 : i32
      %dma_wait3A_860 = tpu.memref_slice %arg4[%multiple_of3A_852, %dma_wait3A_859] : memref<204800x128xf32, #tpu.memory_space<hbm>> -> memref<128x128xf32, #tpu.memory_space<hbm>>
      %dma_wait3A_861 = tpu.memref_slice %arg9[%dma_wait3A_854] : memref<5x!tpu.dma_semaphore, #tpu.memory_space<semaphore_mem>> -> memref<1x!tpu.dma_semaphore, #tpu.memory_space<semaphore_mem>>
      %dma_wait3A_862 = tpu.memref_squeeze %dma_wait3A_861 : memref<1x!tpu.dma_semaphore, #tpu.memory_space<semaphore_mem>> -> memref<!tpu.dma_semaphore, #tpu.memory_space<semaphore_mem>>
      %dma_wait3A_863 = arith.constant 0 : i32
      %dma_wait3A_864 = tpu.memref_slice %arg4[%multiple_of3A_852, %dma_wait3A_863] : memref<204800x128xf32, #tpu.memory_space<hbm>> -> memref<128x128xf32, #tpu.memory_space<hbm>>
      %dma_wait3A_865 = arith.constant 0 : i32
      %dma_wait3A_866 = arith.constant 0 : i32
      %dma_wait3A_867 = tpu.memref_slice %arg6[%dma_wait3A_853, %dma_wait3A_865, %dma_wait3A_866] : memref<5x128x128xf32, #tpu.memory_space<vmem>> -> memref<1x128x128xf32, #tpu.memory_space<vmem>>
      %dma_wait3A_868 = tpu.memref_squeeze %dma_wait3A_867 : memref<1x128x128xf32, #tpu.memory_space<vmem>> -> memref<128x128xf32, #tpu.memory_space<vmem>>
      tpu.wait_dma2 semaphore(%dma_wait3A_862 : memref<!tpu.dma_semaphore, #tpu.memory_space<semaphore_mem>>) src(%dma_wait3A_868 : memref<128x128xf32, #tpu.memory_space<vmem>>) dst(%dma_wait3A_864 : memref<128x128xf32, #tpu.memory_space<hbm>>)
      %add3A_869 = arith.constant 4 : i32
      %add3A_870 = arith.addi %add3A_846, %add3A_869 : i32
      %dma_start3A_871 = arith.constant 1 : i32
      %dma_start3A_872 = arith.constant 1 : i32
      %dma_start3A_873 = arith.constant 0 : i32
      %dma_start3A_874 = arith.constant 0 : i32
      %dma_start3A_875 = tpu.memref_slice %arg6[%dma_start3A_871, %dma_start3A_873, %dma_start3A_874] : memref<5x128x128xf32, #tpu.memory_space<vmem>> -> memref<1x128x128xf32, #tpu.memory_space<vmem>>
      %dma_start3A_876 = tpu.memref_squeeze %dma_start3A_875 : memref<1x128x128xf32, #tpu.memory_space<vmem>> -> memref<128x128xf32, #tpu.memory_space<vmem>>
      %dma_start3A_877 = arith.constant 0 : i32
      %dma_start3A_878 = tpu.memref_slice %arg5[%add3A_870, %dma_start3A_877] : memref<50x128xi32, #tpu.memory_space<vmem>> -> memref<1x128xi32, #tpu.memory_space<vmem>>
      %dma_start3A_879 = tpu.memref_squeeze %dma_start3A_878 : memref<1x128xi32, #tpu.memory_space<vmem>> -> memref<128xi32, #tpu.memory_space<vmem>>
      %dma_start3A_880 = arith.constant 0 : i32
      %dma_start3A_881 = arith.constant 0 : i32
      %dma_start3A_882 = tpu.memref_slice %arg2[%dma_start3A_880, %dma_start3A_881] : memref<100000x128xf32, #tpu.memory_space<hbm>> -> memref<100000x128xf32, #tpu.memory_space<hbm>>
      %dma_start3A_883 = tpu.memref_slice %arg8[%dma_start3A_872] : memref<5x!tpu.dma_semaphore, #tpu.memory_space<semaphore_mem>> -> memref<1x!tpu.dma_semaphore, #tpu.memory_space<semaphore_mem>>
      %dma_start3A_884 = tpu.memref_squeeze %dma_start3A_883 : memref<1x!tpu.dma_semaphore, #tpu.memory_space<semaphore_mem>> -> memref<!tpu.dma_semaphore, #tpu.memory_space<semaphore_mem>>
      tpu.enqueue_indirect_dma source(%dma_start3A_882 : memref<100000x128xf32, #tpu.memory_space<hbm>>) target(%dma_start3A_876 : memref<128x128xf32, #tpu.memory_space<vmem>>) offsets(%dma_start3A_879 : memref<128xi32, #tpu.memory_space<vmem>>) semaphore(%dma_start3A_884 : memref<!tpu.dma_semaphore, #tpu.memory_space<semaphore_mem>>)
      %dma_wait3A_885 = arith.constant 2 : i32
      %dma_wait3A_886 = arith.constant 2 : i32
      %dma_wait3A_887 = arith.constant 0 : i32
      %dma_wait3A_888 = arith.constant 0 : i32
      %dma_wait3A_889 = tpu.memref_slice %arg6[%dma_wait3A_885, %dma_wait3A_887, %dma_wait3A_888] : memref<5x128x128xf32, #tpu.memory_space<vmem>> -> memref<1x128x128xf32, #tpu.memory_space<vmem>>
      %dma_wait3A_890 = tpu.memref_squeeze %dma_wait3A_889 : memref<1x128x128xf32, #tpu.memory_space<vmem>> -> memref<128x128xf32, #tpu.memory_space<vmem>>
      %dma_wait3A_891 = arith.constant 0 : i32
      %dma_wait3A_892 = tpu.memref_slice %arg5[%add3A_846, %dma_wait3A_891] : memref<50x128xi32, #tpu.memory_space<vmem>> -> memref<1x128xi32, #tpu.memory_space<vmem>>
      %dma_wait3A_893 = tpu.memref_squeeze %dma_wait3A_892 : memref<1x128xi32, #tpu.memory_space<vmem>> -> memref<128xi32, #tpu.memory_space<vmem>>
      %dma_wait3A_894 = arith.constant 0 : i32
      %dma_wait3A_895 = arith.constant 0 : i32
      %dma_wait3A_896 = tpu.memref_slice %arg2[%dma_wait3A_894, %dma_wait3A_895] : memref<100000x128xf32, #tpu.memory_space<hbm>> -> memref<100000x128xf32, #tpu.memory_space<hbm>>
      %dma_wait3A_897 = tpu.memref_slice %arg8[%dma_wait3A_886] : memref<5x!tpu.dma_semaphore, #tpu.memory_space<semaphore_mem>> -> memref<1x!tpu.dma_semaphore, #tpu.memory_space<semaphore_mem>>
      %dma_wait3A_898 = tpu.memref_squeeze %dma_wait3A_897 : memref<1x!tpu.dma_semaphore, #tpu.memory_space<semaphore_mem>> -> memref<!tpu.dma_semaphore, #tpu.memory_space<semaphore_mem>>
      tpu.wait_indirect_dma semaphore(%dma_wait3A_898 : memref<!tpu.dma_semaphore, #tpu.memory_space<semaphore_mem>>) src(%dma_wait3A_896 : memref<100000x128xf32, #tpu.memory_space<hbm>>) dst(%dma_wait3A_890 : memref<128x128xf32, #tpu.memory_space<vmem>>)
      %mul3A_899 = arith.constant 4096 : i32
      %mul3A_900 = arith.muli %add3A_846, %mul3A_899 : i32
      %add3A_901 = arith.addi %mul3A_900, %multiple_of3A : i32
      %multiple_of3A_902 = tpu.assume_multiple %add3A_901, 128 : i32
      %dma_start3A_903 = arith.constant 2 : i32
      %dma_start3A_904 = arith.constant 2 : i32
      %dma_start3A_905 = arith.constant 0 : i32
      %dma_start3A_906 = arith.constant 0 : i32
      %dma_start3A_907 = tpu.memref_slice %arg6[%dma_start3A_903, %dma_start3A_905, %dma_start3A_906] : memref<5x128x128xf32, #tpu.memory_space<vmem>> -> memref<1x128x128xf32, #tpu.memory_space<vmem>>
      %dma_start3A_908 = tpu.memref_squeeze %dma_start3A_907 : memref<1x128x128xf32, #tpu.memory_space<vmem>> -> memref<128x128xf32, #tpu.memory_space<vmem>>
      %dma_start3A_909 = arith.constant 0 : i32
      %dma_start3A_910 = tpu.memref_slice %arg4[%multiple_of3A_902, %dma_start3A_909] : memref<204800x128xf32, #tpu.memory_space<hbm>> -> memref<128x128xf32, #tpu.memory_space<hbm>>
      %dma_start3A_911 = tpu.memref_slice %arg9[%dma_start3A_904] : memref<5x!tpu.dma_semaphore, #tpu.memory_space<semaphore_mem>> -> memref<1x!tpu.dma_semaphore, #tpu.memory_space<semaphore_mem>>
      %dma_start3A_912 = tpu.memref_squeeze %dma_start3A_911 : memref<1x!tpu.dma_semaphore, #tpu.memory_space<semaphore_mem>> -> memref<!tpu.dma_semaphore, #tpu.memory_space<semaphore_mem>>
      %dma_start3A_913 = arith.constant 0 : i32
      %dma_start3A_914 = tpu.memref_slice %arg4[%multiple_of3A_902, %dma_start3A_913] : memref<204800x128xf32, #tpu.memory_space<hbm>> -> memref<128x128xf32, #tpu.memory_space<hbm>>
      %dma_start3A_915 = arith.constant 0 : i32
      %dma_start3A_916 = arith.constant 0 : i32
      %dma_start3A_917 = tpu.memref_slice %arg6[%dma_start3A_903, %dma_start3A_915, %dma_start3A_916] : memref<5x128x128xf32, #tpu.memory_space<vmem>> -> memref<1x128x128xf32, #tpu.memory_space<vmem>>
      %dma_start3A_918 = tpu.memref_squeeze %dma_start3A_917 : memref<1x128x128xf32, #tpu.memory_space<vmem>> -> memref<128x128xf32, #tpu.memory_space<vmem>>
      tpu.enqueue_dma source(%dma_start3A_918 : memref<128x128xf32, #tpu.memory_space<vmem>>) target(%dma_start3A_914 : memref<128x128xf32, #tpu.memory_space<hbm>>) target_semaphore(%dma_start3A_912 : memref<!tpu.dma_semaphore, #tpu.memory_space<semaphore_mem>>)
      %add3A_919 = arith.constant 3 : i32
      %add3A_920 = arith.addi %add3A_697, %add3A_919 : i32
      %sub3A_921 = arith.constant 1 : i32
      %sub3A_922 = arith.subi %add3A_920, %sub3A_921 : i32
      %mul3A_923 = arith.constant 4096 : i32
      %mul3A_924 = arith.muli %sub3A_922, %mul3A_923 : i32
      %add3A_925 = arith.addi %mul3A_924, %multiple_of3A : i32
      %multiple_of3A_926 = tpu.assume_multiple %add3A_925, 128 : i32
      %dma_wait3A_927 = arith.constant 2 : i32
      %dma_wait3A_928 = arith.constant 2 : i32
      %dma_wait3A_929 = arith.constant 0 : i32
      %dma_wait3A_930 = arith.constant 0 : i32
      %dma_wait3A_931 = tpu.memref_slice %arg6[%dma_wait3A_927, %dma_wait3A_929, %dma_wait3A_930] : memref<5x128x128xf32, #tpu.memory_space<vmem>> -> memref<1x128x128xf32, #tpu.memory_space<vmem>>
      %dma_wait3A_932 = tpu.memref_squeeze %dma_wait3A_931 : memref<1x128x128xf32, #tpu.memory_space<vmem>> -> memref<128x128xf32, #tpu.memory_space<vmem>>
      %dma_wait3A_933 = arith.constant 0 : i32
      %dma_wait3A_934 = tpu.memref_slice %arg4[%multiple_of3A_926, %dma_wait3A_933] : memref<204800x128xf32, #tpu.memory_space<hbm>> -> memref<128x128xf32, #tpu.memory_space<hbm>>
      %dma_wait3A_935 = tpu.memref_slice %arg9[%dma_wait3A_928] : memref<5x!tpu.dma_semaphore, #tpu.memory_space<semaphore_mem>> -> memref<1x!tpu.dma_semaphore, #tpu.memory_space<semaphore_mem>>
      %dma_wait3A_936 = tpu.memref_squeeze %dma_wait3A_935 : memref<1x!tpu.dma_semaphore, #tpu.memory_space<semaphore_mem>> -> memref<!tpu.dma_semaphore, #tpu.memory_space<semaphore_mem>>
      %dma_wait3A_937 = arith.constant 0 : i32
      %dma_wait3A_938 = tpu.memref_slice %arg4[%multiple_of3A_926, %dma_wait3A_937] : memref<204800x128xf32, #tpu.memory_space<hbm>> -> memref<128x128xf32, #tpu.memory_space<hbm>>
      %dma_wait3A_939 = arith.constant 0 : i32
      %dma_wait3A_940 = arith.constant 0 : i32
      %dma_wait3A_941 = tpu.memref_slice %arg6[%dma_wait3A_927, %dma_wait3A_939, %dma_wait3A_940] : memref<5x128x128xf32, #tpu.memory_space<vmem>> -> memref<1x128x128xf32, #tpu.memory_space<vmem>>
      %dma_wait3A_942 = tpu.memref_squeeze %dma_wait3A_941 : memref<1x128x128xf32, #tpu.memory_space<vmem>> -> memref<128x128xf32, #tpu.memory_space<vmem>>
      tpu.wait_dma2 semaphore(%dma_wait3A_936 : memref<!tpu.dma_semaphore, #tpu.memory_space<semaphore_mem>>) src(%dma_wait3A_942 : memref<128x128xf32, #tpu.memory_space<vmem>>) dst(%dma_wait3A_938 : memref<128x128xf32, #tpu.memory_space<hbm>>)
      %add3A_943 = arith.constant 4 : i32
      %add3A_944 = arith.addi %add3A_920, %add3A_943 : i32
      %dma_start3A_945 = arith.constant 2 : i32
      %dma_start3A_946 = arith.constant 2 : i32
      %dma_start3A_947 = arith.constant 0 : i32
      %dma_start3A_948 = arith.constant 0 : i32
      %dma_start3A_949 = tpu.memref_slice %arg6[%dma_start3A_945, %dma_start3A_947, %dma_start3A_948] : memref<5x128x128xf32, #tpu.memory_space<vmem>> -> memref<1x128x128xf32, #tpu.memory_space<vmem>>
      %dma_start3A_950 = tpu.memref_squeeze %dma_start3A_949 : memref<1x128x128xf32, #tpu.memory_space<vmem>> -> memref<128x128xf32, #tpu.memory_space<vmem>>
      %dma_start3A_951 = arith.constant 0 : i32
      %dma_start3A_952 = tpu.memref_slice %arg5[%add3A_944, %dma_start3A_951] : memref<50x128xi32, #tpu.memory_space<vmem>> -> memref<1x128xi32, #tpu.memory_space<vmem>>
      %dma_start3A_953 = tpu.memref_squeeze %dma_start3A_952 : memref<1x128xi32, #tpu.memory_space<vmem>> -> memref<128xi32, #tpu.memory_space<vmem>>
      %dma_start3A_954 = arith.constant 0 : i32
      %dma_start3A_955 = arith.constant 0 : i32
      %dma_start3A_956 = tpu.memref_slice %arg2[%dma_start3A_954, %dma_start3A_955] : memref<100000x128xf32, #tpu.memory_space<hbm>> -> memref<100000x128xf32, #tpu.memory_space<hbm>>
      %dma_start3A_957 = tpu.memref_slice %arg8[%dma_start3A_946] : memref<5x!tpu.dma_semaphore, #tpu.memory_space<semaphore_mem>> -> memref<1x!tpu.dma_semaphore, #tpu.memory_space<semaphore_mem>>
      %dma_start3A_958 = tpu.memref_squeeze %dma_start3A_957 : memref<1x!tpu.dma_semaphore, #tpu.memory_space<semaphore_mem>> -> memref<!tpu.dma_semaphore, #tpu.memory_space<semaphore_mem>>
      tpu.enqueue_indirect_dma source(%dma_start3A_956 : memref<100000x128xf32, #tpu.memory_space<hbm>>) target(%dma_start3A_950 : memref<128x128xf32, #tpu.memory_space<vmem>>) offsets(%dma_start3A_953 : memref<128xi32, #tpu.memory_space<vmem>>) semaphore(%dma_start3A_958 : memref<!tpu.dma_semaphore, #tpu.memory_space<semaphore_mem>>)
      %dma_wait3A_959 = arith.constant 3 : i32
      %dma_wait3A_960 = arith.constant 3 : i32
      %dma_wait3A_961 = arith.constant 0 : i32
      %dma_wait3A_962 = arith.constant 0 : i32
      %dma_wait3A_963 = tpu.memref_slice %arg6[%dma_wait3A_959, %dma_wait3A_961, %dma_wait3A_962] : memref<5x128x128xf32, #tpu.memory_space<vmem>> -> memref<1x128x128xf32, #tpu.memory_space<vmem>>
      %dma_wait3A_964 = tpu.memref_squeeze %dma_wait3A_963 : memref<1x128x128xf32, #tpu.memory_space<vmem>> -> memref<128x128xf32, #tpu.memory_space<vmem>>
      %dma_wait3A_965 = arith.constant 0 : i32
      %dma_wait3A_966 = tpu.memref_slice %arg5[%add3A_920, %dma_wait3A_965] : memref<50x128xi32, #tpu.memory_space<vmem>> -> memref<1x128xi32, #tpu.memory_space<vmem>>
      %dma_wait3A_967 = tpu.memref_squeeze %dma_wait3A_966 : memref<1x128xi32, #tpu.memory_space<vmem>> -> memref<128xi32, #tpu.memory_space<vmem>>
      %dma_wait3A_968 = arith.constant 0 : i32
      %dma_wait3A_969 = arith.constant 0 : i32
      %dma_wait3A_970 = tpu.memref_slice %arg2[%dma_wait3A_968, %dma_wait3A_969] : memref<100000x128xf32, #tpu.memory_space<hbm>> -> memref<100000x128xf32, #tpu.memory_space<hbm>>
      %dma_wait3A_971 = tpu.memref_slice %arg8[%dma_wait3A_960] : memref<5x!tpu.dma_semaphore, #tpu.memory_space<semaphore_mem>> -> memref<1x!tpu.dma_semaphore, #tpu.memory_space<semaphore_mem>>
      %dma_wait3A_972 = tpu.memref_squeeze %dma_wait3A_971 : memref<1x!tpu.dma_semaphore, #tpu.memory_space<semaphore_mem>> -> memref<!tpu.dma_semaphore, #tpu.memory_space<semaphore_mem>>
      tpu.wait_indirect_dma semaphore(%dma_wait3A_972 : memref<!tpu.dma_semaphore, #tpu.memory_space<semaphore_mem>>) src(%dma_wait3A_970 : memref<100000x128xf32, #tpu.memory_space<hbm>>) dst(%dma_wait3A_964 : memref<128x128xf32, #tpu.memory_space<vmem>>)
      %mul3A_973 = arith.constant 4096 : i32
      %mul3A_974 = arith.muli %add3A_920, %mul3A_973 : i32
      %add3A_975 = arith.addi %mul3A_974, %multiple_of3A : i32
      %multiple_of3A_976 = tpu.assume_multiple %add3A_975, 128 : i32
      %dma_start3A_977 = arith.constant 3 : i32
      %dma_start3A_978 = arith.constant 3 : i32
      %dma_start3A_979 = arith.constant 0 : i32
      %dma_start3A_980 = arith.constant 0 : i32
      %dma_start3A_981 = tpu.memref_slice %arg6[%dma_start3A_977, %dma_start3A_979, %dma_start3A_980] : memref<5x128x128xf32, #tpu.memory_space<vmem>> -> memref<1x128x128xf32, #tpu.memory_space<vmem>>
      %dma_start3A_982 = tpu.memref_squeeze %dma_start3A_981 : memref<1x128x128xf32, #tpu.memory_space<vmem>> -> memref<128x128xf32, #tpu.memory_space<vmem>>
      %dma_start3A_983 = arith.constant 0 : i32
      %dma_start3A_984 = tpu.memref_slice %arg4[%multiple_of3A_976, %dma_start3A_983] : memref<204800x128xf32, #tpu.memory_space<hbm>> -> memref<128x128xf32, #tpu.memory_space<hbm>>
      %dma_start3A_985 = tpu.memref_slice %arg9[%dma_start3A_978] : memref<5x!tpu.dma_semaphore, #tpu.memory_space<semaphore_mem>> -> memref<1x!tpu.dma_semaphore, #tpu.memory_space<semaphore_mem>>
      %dma_start3A_986 = tpu.memref_squeeze %dma_start3A_985 : memref<1x!tpu.dma_semaphore, #tpu.memory_space<semaphore_mem>> -> memref<!tpu.dma_semaphore, #tpu.memory_space<semaphore_mem>>
      %dma_start3A_987 = arith.constant 0 : i32
      %dma_start3A_988 = tpu.memref_slice %arg4[%multiple_of3A_976, %dma_start3A_987] : memref<204800x128xf32, #tpu.memory_space<hbm>> -> memref<128x128xf32, #tpu.memory_space<hbm>>
      %dma_start3A_989 = arith.constant 0 : i32
      %dma_start3A_990 = arith.constant 0 : i32
      %dma_start3A_991 = tpu.memref_slice %arg6[%dma_start3A_977, %dma_start3A_989, %dma_start3A_990] : memref<5x128x128xf32, #tpu.memory_space<vmem>> -> memref<1x128x128xf32, #tpu.memory_space<vmem>>
      %dma_start3A_992 = tpu.memref_squeeze %dma_start3A_991 : memref<1x128x128xf32, #tpu.memory_space<vmem>> -> memref<128x128xf32, #tpu.memory_space<vmem>>
      tpu.enqueue_dma source(%dma_start3A_992 : memref<128x128xf32, #tpu.memory_space<vmem>>) target(%dma_start3A_988 : memref<128x128xf32, #tpu.memory_space<hbm>>) target_semaphore(%dma_start3A_986 : memref<!tpu.dma_semaphore, #tpu.memory_space<semaphore_mem>>)
      %add3A_993 = arith.constant 4 : i32
      %add3A_994 = arith.addi %add3A_697, %add3A_993 : i32
      %sub3A_995 = arith.constant 1 : i32
      %sub3A_996 = arith.subi %add3A_994, %sub3A_995 : i32
      %mul3A_997 = arith.constant 4096 : i32
      %mul3A_998 = arith.muli %sub3A_996, %mul3A_997 : i32
      %add3A_999 = arith.addi %mul3A_998, %multiple_of3A : i32
      %multiple_of3A_1000 = tpu.assume_multiple %add3A_999, 128 : i32
      %dma_wait3A_1001 = arith.constant 3 : i32
      %dma_wait3A_1002 = arith.constant 3 : i32
      %dma_wait3A_1003 = arith.constant 0 : i32
      %dma_wait3A_1004 = arith.constant 0 : i32
      %dma_wait3A_1005 = tpu.memref_slice %arg6[%dma_wait3A_1001, %dma_wait3A_1003, %dma_wait3A_1004] : memref<5x128x128xf32, #tpu.memory_space<vmem>> -> memref<1x128x128xf32, #tpu.memory_space<vmem>>
      %dma_wait3A_1006 = tpu.memref_squeeze %dma_wait3A_1005 : memref<1x128x128xf32, #tpu.memory_space<vmem>> -> memref<128x128xf32, #tpu.memory_space<vmem>>
      %dma_wait3A_1007 = arith.constant 0 : i32
      %dma_wait3A_1008 = tpu.memref_slice %arg4[%multiple_of3A_1000, %dma_wait3A_1007] : memref<204800x128xf32, #tpu.memory_space<hbm>> -> memref<128x128xf32, #tpu.memory_space<hbm>>
      %dma_wait3A_1009 = tpu.memref_slice %arg9[%dma_wait3A_1002] : memref<5x!tpu.dma_semaphore, #tpu.memory_space<semaphore_mem>> -> memref<1x!tpu.dma_semaphore, #tpu.memory_space<semaphore_mem>>
      %dma_wait3A_1010 = tpu.memref_squeeze %dma_wait3A_1009 : memref<1x!tpu.dma_semaphore, #tpu.memory_space<semaphore_mem>> -> memref<!tpu.dma_semaphore, #tpu.memory_space<semaphore_mem>>
      %dma_wait3A_1011 = arith.constant 0 : i32
      %dma_wait3A_1012 = tpu.memref_slice %arg4[%multiple_of3A_1000, %dma_wait3A_1011] : memref<204800x128xf32, #tpu.memory_space<hbm>> -> memref<128x128xf32, #tpu.memory_space<hbm>>
      %dma_wait3A_1013 = arith.constant 0 : i32
      %dma_wait3A_1014 = arith.constant 0 : i32
      %dma_wait3A_1015 = tpu.memref_slice %arg6[%dma_wait3A_1001, %dma_wait3A_1013, %dma_wait3A_1014] : memref<5x128x128xf32, #tpu.memory_space<vmem>> -> memref<1x128x128xf32, #tpu.memory_space<vmem>>
      %dma_wait3A_1016 = tpu.memref_squeeze %dma_wait3A_1015 : memref<1x128x128xf32, #tpu.memory_space<vmem>> -> memref<128x128xf32, #tpu.memory_space<vmem>>
      tpu.wait_dma2 semaphore(%dma_wait3A_1010 : memref<!tpu.dma_semaphore, #tpu.memory_space<semaphore_mem>>) src(%dma_wait3A_1016 : memref<128x128xf32, #tpu.memory_space<vmem>>) dst(%dma_wait3A_1012 : memref<128x128xf32, #tpu.memory_space<hbm>>)
      %add3A_1017 = arith.constant 4 : i32
      %add3A_1018 = arith.addi %add3A_994, %add3A_1017 : i32
      %dma_start3A_1019 = arith.constant 3 : i32
      %dma_start3A_1020 = arith.constant 3 : i32
      %dma_start3A_1021 = arith.constant 0 : i32
      %dma_start3A_1022 = arith.constant 0 : i32
      %dma_start3A_1023 = tpu.memref_slice %arg6[%dma_start3A_1019, %dma_start3A_1021, %dma_start3A_1022] : memref<5x128x128xf32, #tpu.memory_space<vmem>> -> memref<1x128x128xf32, #tpu.memory_space<vmem>>
      %dma_start3A_1024 = tpu.memref_squeeze %dma_start3A_1023 : memref<1x128x128xf32, #tpu.memory_space<vmem>> -> memref<128x128xf32, #tpu.memory_space<vmem>>
      %dma_start3A_1025 = arith.constant 0 : i32
      %dma_start3A_1026 = tpu.memref_slice %arg5[%add3A_1018, %dma_start3A_1025] : memref<50x128xi32, #tpu.memory_space<vmem>> -> memref<1x128xi32, #tpu.memory_space<vmem>>
      %dma_start3A_1027 = tpu.memref_squeeze %dma_start3A_1026 : memref<1x128xi32, #tpu.memory_space<vmem>> -> memref<128xi32, #tpu.memory_space<vmem>>
      %dma_start3A_1028 = arith.constant 0 : i32
      %dma_start3A_1029 = arith.constant 0 : i32
      %dma_start3A_1030 = tpu.memref_slice %arg2[%dma_start3A_1028, %dma_start3A_1029] : memref<100000x128xf32, #tpu.memory_space<hbm>> -> memref<100000x128xf32, #tpu.memory_space<hbm>>
      %dma_start3A_1031 = tpu.memref_slice %arg8[%dma_start3A_1020] : memref<5x!tpu.dma_semaphore, #tpu.memory_space<semaphore_mem>> -> memref<1x!tpu.dma_semaphore, #tpu.memory_space<semaphore_mem>>
      %dma_start3A_1032 = tpu.memref_squeeze %dma_start3A_1031 : memref<1x!tpu.dma_semaphore, #tpu.memory_space<semaphore_mem>> -> memref<!tpu.dma_semaphore, #tpu.memory_space<semaphore_mem>>
      tpu.enqueue_indirect_dma source(%dma_start3A_1030 : memref<100000x128xf32, #tpu.memory_space<hbm>>) target(%dma_start3A_1024 : memref<128x128xf32, #tpu.memory_space<vmem>>) offsets(%dma_start3A_1027 : memref<128xi32, #tpu.memory_space<vmem>>) semaphore(%dma_start3A_1032 : memref<!tpu.dma_semaphore, #tpu.memory_space<semaphore_mem>>)
      %dma_wait3A_1033 = arith.constant 4 : i32
      %dma_wait3A_1034 = arith.constant 4 : i32
      %dma_wait3A_1035 = arith.constant 0 : i32
      %dma_wait3A_1036 = arith.constant 0 : i32
      %dma_wait3A_1037 = tpu.memref_slice %arg6[%dma_wait3A_1033, %dma_wait3A_1035, %dma_wait3A_1036] : memref<5x128x128xf32, #tpu.memory_space<vmem>> -> memref<1x128x128xf32, #tpu.memory_space<vmem>>
      %dma_wait3A_1038 = tpu.memref_squeeze %dma_wait3A_1037 : memref<1x128x128xf32, #tpu.memory_space<vmem>> -> memref<128x128xf32, #tpu.memory_space<vmem>>
      %dma_wait3A_1039 = arith.constant 0 : i32
      %dma_wait3A_1040 = tpu.memref_slice %arg5[%add3A_994, %dma_wait3A_1039] : memref<50x128xi32, #tpu.memory_space<vmem>> -> memref<1x128xi32, #tpu.memory_space<vmem>>
      %dma_wait3A_1041 = tpu.memref_squeeze %dma_wait3A_1040 : memref<1x128xi32, #tpu.memory_space<vmem>> -> memref<128xi32, #tpu.memory_space<vmem>>
      %dma_wait3A_1042 = arith.constant 0 : i32
      %dma_wait3A_1043 = arith.constant 0 : i32
      %dma_wait3A_1044 = tpu.memref_slice %arg2[%dma_wait3A_1042, %dma_wait3A_1043] : memref<100000x128xf32, #tpu.memory_space<hbm>> -> memref<100000x128xf32, #tpu.memory_space<hbm>>
      %dma_wait3A_1045 = tpu.memref_slice %arg8[%dma_wait3A_1034] : memref<5x!tpu.dma_semaphore, #tpu.memory_space<semaphore_mem>> -> memref<1x!tpu.dma_semaphore, #tpu.memory_space<semaphore_mem>>
      %dma_wait3A_1046 = tpu.memref_squeeze %dma_wait3A_1045 : memref<1x!tpu.dma_semaphore, #tpu.memory_space<semaphore_mem>> -> memref<!tpu.dma_semaphore, #tpu.memory_space<semaphore_mem>>
      tpu.wait_indirect_dma semaphore(%dma_wait3A_1046 : memref<!tpu.dma_semaphore, #tpu.memory_space<semaphore_mem>>) src(%dma_wait3A_1044 : memref<100000x128xf32, #tpu.memory_space<hbm>>) dst(%dma_wait3A_1038 : memref<128x128xf32, #tpu.memory_space<vmem>>)
      %mul3A_1047 = arith.constant 4096 : i32
      %mul3A_1048 = arith.muli %add3A_994, %mul3A_1047 : i32
      %add3A_1049 = arith.addi %mul3A_1048, %multiple_of3A : i32
      %multiple_of3A_1050 = tpu.assume_multiple %add3A_1049, 128 : i32
      %dma_start3A_1051 = arith.constant 4 : i32
      %dma_start3A_1052 = arith.constant 4 : i32
      %dma_start3A_1053 = arith.constant 0 : i32
      %dma_start3A_1054 = arith.constant 0 : i32
      %dma_start3A_1055 = tpu.memref_slice %arg6[%dma_start3A_1051, %dma_start3A_1053, %dma_start3A_1054] : memref<5x128x128xf32, #tpu.memory_space<vmem>> -> memref<1x128x128xf32, #tpu.memory_space<vmem>>
      %dma_start3A_1056 = tpu.memref_squeeze %dma_start3A_1055 : memref<1x128x128xf32, #tpu.memory_space<vmem>> -> memref<128x128xf32, #tpu.memory_space<vmem>>
      %dma_start3A_1057 = arith.constant 0 : i32
      %dma_start3A_1058 = tpu.memref_slice %arg4[%multiple_of3A_1050, %dma_start3A_1057] : memref<204800x128xf32, #tpu.memory_space<hbm>> -> memref<128x128xf32, #tpu.memory_space<hbm>>
      %dma_start3A_1059 = tpu.memref_slice %arg9[%dma_start3A_1052] : memref<5x!tpu.dma_semaphore, #tpu.memory_space<semaphore_mem>> -> memref<1x!tpu.dma_semaphore, #tpu.memory_space<semaphore_mem>>
      %dma_start3A_1060 = tpu.memref_squeeze %dma_start3A_1059 : memref<1x!tpu.dma_semaphore, #tpu.memory_space<semaphore_mem>> -> memref<!tpu.dma_semaphore, #tpu.memory_space<semaphore_mem>>
      %dma_start3A_1061 = arith.constant 0 : i32
      %dma_start3A_1062 = tpu.memref_slice %arg4[%multiple_of3A_1050, %dma_start3A_1061] : memref<204800x128xf32, #tpu.memory_space<hbm>> -> memref<128x128xf32, #tpu.memory_space<hbm>>
      %dma_start3A_1063 = arith.constant 0 : i32
      %dma_start3A_1064 = arith.constant 0 : i32
      %dma_start3A_1065 = tpu.memref_slice %arg6[%dma_start3A_1051, %dma_start3A_1063, %dma_start3A_1064] : memref<5x128x128xf32, #tpu.memory_space<vmem>> -> memref<1x128x128xf32, #tpu.memory_space<vmem>>
      %dma_start3A_1066 = tpu.memref_squeeze %dma_start3A_1065 : memref<1x128x128xf32, #tpu.memory_space<vmem>> -> memref<128x128xf32, #tpu.memory_space<vmem>>
      tpu.enqueue_dma source(%dma_start3A_1066 : memref<128x128xf32, #tpu.memory_space<vmem>>) target(%dma_start3A_1062 : memref<128x128xf32, #tpu.memory_space<hbm>>) target_semaphore(%dma_start3A_1060 : memref<!tpu.dma_semaphore, #tpu.memory_space<semaphore_mem>>)
    }
    %scan3A_393 = arith.constant 8 : i32
    %add3A_394 = arith.constant 180224 : i32
    %add3A_395 = arith.addi %add3A_394, %multiple_of3A : i32
    %multiple_of3A_396 = tpu.assume_multiple %add3A_395, 128 : i32
    %dma_wait3A_397 = arith.constant 4 : i32
    %dma_wait3A_398 = arith.constant 4 : i32
    %dma_wait3A_399 = arith.constant 0 : i32
    %dma_wait3A_400 = arith.constant 0 : i32
    %dma_wait3A_401 = tpu.memref_slice %arg6[%dma_wait3A_397, %dma_wait3A_399, %dma_wait3A_400] : memref<5x128x128xf32, #tpu.memory_space<vmem>> -> memref<1x128x128xf32, #tpu.memory_space<vmem>>
    %dma_wait3A_402 = tpu.memref_squeeze %dma_wait3A_401 : memref<1x128x128xf32, #tpu.memory_space<vmem>> -> memref<128x128xf32, #tpu.memory_space<vmem>>
    %dma_wait3A_403 = arith.constant 0 : i32
    %dma_wait3A_404 = tpu.memref_slice %arg4[%multiple_of3A_396, %dma_wait3A_403] : memref<204800x128xf32, #tpu.memory_space<hbm>> -> memref<128x128xf32, #tpu.memory_space<hbm>>
    %dma_wait3A_405 = tpu.memref_slice %arg9[%dma_wait3A_398] : memref<5x!tpu.dma_semaphore, #tpu.memory_space<semaphore_mem>> -> memref<1x!tpu.dma_semaphore, #tpu.memory_space<semaphore_mem>>
    %dma_wait3A_406 = tpu.memref_squeeze %dma_wait3A_405 : memref<1x!tpu.dma_semaphore, #tpu.memory_space<semaphore_mem>> -> memref<!tpu.dma_semaphore, #tpu.memory_space<semaphore_mem>>
    %dma_wait3A_407 = arith.constant 0 : i32
    %dma_wait3A_408 = tpu.memref_slice %arg4[%multiple_of3A_396, %dma_wait3A_407] : memref<204800x128xf32, #tpu.memory_space<hbm>> -> memref<128x128xf32, #tpu.memory_space<hbm>>
    %dma_wait3A_409 = arith.constant 0 : i32
    %dma_wait3A_410 = arith.constant 0 : i32
    %dma_wait3A_411 = tpu.memref_slice %arg6[%dma_wait3A_397, %dma_wait3A_409, %dma_wait3A_410] : memref<5x128x128xf32, #tpu.memory_space<vmem>> -> memref<1x128x128xf32, #tpu.memory_space<vmem>>
    %dma_wait3A_412 = tpu.memref_squeeze %dma_wait3A_411 : memref<1x128x128xf32, #tpu.memory_space<vmem>> -> memref<128x128xf32, #tpu.memory_space<vmem>>
    tpu.wait_dma2 semaphore(%dma_wait3A_406 : memref<!tpu.dma_semaphore, #tpu.memory_space<semaphore_mem>>) src(%dma_wait3A_412 : memref<128x128xf32, #tpu.memory_space<vmem>>) dst(%dma_wait3A_408 : memref<128x128xf32, #tpu.memory_space<hbm>>)
    %dma_start3A_413 = arith.constant 49 : i32
    %dma_start3A_414 = arith.constant 4 : i32
    %dma_start3A_415 = arith.constant 4 : i32
    %dma_start3A_416 = arith.constant 0 : i32
    %dma_start3A_417 = arith.constant 0 : i32
    %dma_start3A_418 = tpu.memref_slice %arg6[%dma_start3A_414, %dma_start3A_416, %dma_start3A_417] : memref<5x128x128xf32, #tpu.memory_space<vmem>> -> memref<1x128x128xf32, #tpu.memory_space<vmem>>
    %dma_start3A_419 = tpu.memref_squeeze %dma_start3A_418 : memref<1x128x128xf32, #tpu.memory_space<vmem>> -> memref<128x128xf32, #tpu.memory_space<vmem>>
    %dma_start3A_420 = arith.constant 0 : i32
    %dma_start3A_421 = tpu.memref_slice %arg5[%dma_start3A_413, %dma_start3A_420] : memref<50x128xi32, #tpu.memory_space<vmem>> -> memref<1x128xi32, #tpu.memory_space<vmem>>
    %dma_start3A_422 = tpu.memref_squeeze %dma_start3A_421 : memref<1x128xi32, #tpu.memory_space<vmem>> -> memref<128xi32, #tpu.memory_space<vmem>>
    %dma_start3A_423 = arith.constant 0 : i32
    %dma_start3A_424 = arith.constant 0 : i32
    %dma_start3A_425 = tpu.memref_slice %arg2[%dma_start3A_423, %dma_start3A_424] : memref<100000x128xf32, #tpu.memory_space<hbm>> -> memref<100000x128xf32, #tpu.memory_space<hbm>>
    %dma_start3A_426 = tpu.memref_slice %arg8[%dma_start3A_415] : memref<5x!tpu.dma_semaphore, #tpu.memory_space<semaphore_mem>> -> memref<1x!tpu.dma_semaphore, #tpu.memory_space<semaphore_mem>>
    %dma_start3A_427 = tpu.memref_squeeze %dma_start3A_426 : memref<1x!tpu.dma_semaphore, #tpu.memory_space<semaphore_mem>> -> memref<!tpu.dma_semaphore, #tpu.memory_space<semaphore_mem>>
    tpu.enqueue_indirect_dma source(%dma_start3A_425 : memref<100000x128xf32, #tpu.memory_space<hbm>>) target(%dma_start3A_419 : memref<128x128xf32, #tpu.memory_space<vmem>>) offsets(%dma_start3A_422 : memref<128xi32, #tpu.memory_space<vmem>>) semaphore(%dma_start3A_427 : memref<!tpu.dma_semaphore, #tpu.memory_space<semaphore_mem>>)
    %dma_wait3A_428 = arith.constant 45 : i32
    %dma_wait3A_429 = arith.constant 0 : i32
    %dma_wait3A_430 = arith.constant 0 : i32
    %dma_wait3A_431 = arith.constant 0 : i32
    %dma_wait3A_432 = arith.constant 0 : i32
    %dma_wait3A_433 = tpu.memref_slice %arg6[%dma_wait3A_429, %dma_wait3A_431, %dma_wait3A_432] : memref<5x128x128xf32, #tpu.memory_space<vmem>> -> memref<1x128x128xf32, #tpu.memory_space<vmem>>
    %dma_wait3A_434 = tpu.memref_squeeze %dma_wait3A_433 : memref<1x128x128xf32, #tpu.memory_space<vmem>> -> memref<128x128xf32, #tpu.memory_space<vmem>>
    %dma_wait3A_435 = arith.constant 0 : i32
    %dma_wait3A_436 = tpu.memref_slice %arg5[%dma_wait3A_428, %dma_wait3A_435] : memref<50x128xi32, #tpu.memory_space<vmem>> -> memref<1x128xi32, #tpu.memory_space<vmem>>
    %dma_wait3A_437 = tpu.memref_squeeze %dma_wait3A_436 : memref<1x128xi32, #tpu.memory_space<vmem>> -> memref<128xi32, #tpu.memory_space<vmem>>
    %dma_wait3A_438 = arith.constant 0 : i32
    %dma_wait3A_439 = arith.constant 0 : i32
    %dma_wait3A_440 = tpu.memref_slice %arg2[%dma_wait3A_438, %dma_wait3A_439] : memref<100000x128xf32, #tpu.memory_space<hbm>> -> memref<100000x128xf32, #tpu.memory_space<hbm>>
    %dma_wait3A_441 = tpu.memref_slice %arg8[%dma_wait3A_430] : memref<5x!tpu.dma_semaphore, #tpu.memory_space<semaphore_mem>> -> memref<1x!tpu.dma_semaphore, #tpu.memory_space<semaphore_mem>>
    %dma_wait3A_442 = tpu.memref_squeeze %dma_wait3A_441 : memref<1x!tpu.dma_semaphore, #tpu.memory_space<semaphore_mem>> -> memref<!tpu.dma_semaphore, #tpu.memory_space<semaphore_mem>>
    tpu.wait_indirect_dma semaphore(%dma_wait3A_442 : memref<!tpu.dma_semaphore, #tpu.memory_space<semaphore_mem>>) src(%dma_wait3A_440 : memref<100000x128xf32, #tpu.memory_space<hbm>>) dst(%dma_wait3A_434 : memref<128x128xf32, #tpu.memory_space<vmem>>)
    %add3A_443 = arith.constant 184320 : i32
    %add3A_444 = arith.addi %add3A_443, %multiple_of3A : i32
    %multiple_of3A_445 = tpu.assume_multiple %add3A_444, 128 : i32
    %dma_start3A_446 = arith.constant 0 : i32
    %dma_start3A_447 = arith.constant 0 : i32
    %dma_start3A_448 = arith.constant 0 : i32
    %dma_start3A_449 = arith.constant 0 : i32
    %dma_start3A_450 = tpu.memref_slice %arg6[%dma_start3A_446, %dma_start3A_448, %dma_start3A_449] : memref<5x128x128xf32, #tpu.memory_space<vmem>> -> memref<1x128x128xf32, #tpu.memory_space<vmem>>
    %dma_start3A_451 = tpu.memref_squeeze %dma_start3A_450 : memref<1x128x128xf32, #tpu.memory_space<vmem>> -> memref<128x128xf32, #tpu.memory_space<vmem>>
    %dma_start3A_452 = arith.constant 0 : i32
    %dma_start3A_453 = tpu.memref_slice %arg4[%multiple_of3A_445, %dma_start3A_452] : memref<204800x128xf32, #tpu.memory_space<hbm>> -> memref<128x128xf32, #tpu.memory_space<hbm>>
    %dma_start3A_454 = tpu.memref_slice %arg9[%dma_start3A_447] : memref<5x!tpu.dma_semaphore, #tpu.memory_space<semaphore_mem>> -> memref<1x!tpu.dma_semaphore, #tpu.memory_space<semaphore_mem>>
    %dma_start3A_455 = tpu.memref_squeeze %dma_start3A_454 : memref<1x!tpu.dma_semaphore, #tpu.memory_space<semaphore_mem>> -> memref<!tpu.dma_semaphore, #tpu.memory_space<semaphore_mem>>
    %dma_start3A_456 = arith.constant 0 : i32
    %dma_start3A_457 = tpu.memref_slice %arg4[%multiple_of3A_445, %dma_start3A_456] : memref<204800x128xf32, #tpu.memory_space<hbm>> -> memref<128x128xf32, #tpu.memory_space<hbm>>
    %dma_start3A_458 = arith.constant 0 : i32
    %dma_start3A_459 = arith.constant 0 : i32
    %dma_start3A_460 = tpu.memref_slice %arg6[%dma_start3A_446, %dma_start3A_458, %dma_start3A_459] : memref<5x128x128xf32, #tpu.memory_space<vmem>> -> memref<1x128x128xf32, #tpu.memory_space<vmem>>
    %dma_start3A_461 = tpu.memref_squeeze %dma_start3A_460 : memref<1x128x128xf32, #tpu.memory_space<vmem>> -> memref<128x128xf32, #tpu.memory_space<vmem>>
    tpu.enqueue_dma source(%dma_start3A_461 : memref<128x128xf32, #tpu.memory_space<vmem>>) target(%dma_start3A_457 : memref<128x128xf32, #tpu.memory_space<hbm>>) target_semaphore(%dma_start3A_455 : memref<!tpu.dma_semaphore, #tpu.memory_space<semaphore_mem>>)
    %dma_wait3A_462 = arith.constant 46 : i32
    %dma_wait3A_463 = arith.constant 1 : i32
    %dma_wait3A_464 = arith.constant 1 : i32
    %dma_wait3A_465 = arith.constant 0 : i32
    %dma_wait3A_466 = arith.constant 0 : i32
    %dma_wait3A_467 = tpu.memref_slice %arg6[%dma_wait3A_463, %dma_wait3A_465, %dma_wait3A_466] : memref<5x128x128xf32, #tpu.memory_space<vmem>> -> memref<1x128x128xf32, #tpu.memory_space<vmem>>
    %dma_wait3A_468 = tpu.memref_squeeze %dma_wait3A_467 : memref<1x128x128xf32, #tpu.memory_space<vmem>> -> memref<128x128xf32, #tpu.memory_space<vmem>>
    %dma_wait3A_469 = arith.constant 0 : i32
    %dma_wait3A_470 = tpu.memref_slice %arg5[%dma_wait3A_462, %dma_wait3A_469] : memref<50x128xi32, #tpu.memory_space<vmem>> -> memref<1x128xi32, #tpu.memory_space<vmem>>
    %dma_wait3A_471 = tpu.memref_squeeze %dma_wait3A_470 : memref<1x128xi32, #tpu.memory_space<vmem>> -> memref<128xi32, #tpu.memory_space<vmem>>
    %dma_wait3A_472 = arith.constant 0 : i32
    %dma_wait3A_473 = arith.constant 0 : i32
    %dma_wait3A_474 = tpu.memref_slice %arg2[%dma_wait3A_472, %dma_wait3A_473] : memref<100000x128xf32, #tpu.memory_space<hbm>> -> memref<100000x128xf32, #tpu.memory_space<hbm>>
    %dma_wait3A_475 = tpu.memref_slice %arg8[%dma_wait3A_464] : memref<5x!tpu.dma_semaphore, #tpu.memory_space<semaphore_mem>> -> memref<1x!tpu.dma_semaphore, #tpu.memory_space<semaphore_mem>>
    %dma_wait3A_476 = tpu.memref_squeeze %dma_wait3A_475 : memref<1x!tpu.dma_semaphore, #tpu.memory_space<semaphore_mem>> -> memref<!tpu.dma_semaphore, #tpu.memory_space<semaphore_mem>>
    tpu.wait_indirect_dma semaphore(%dma_wait3A_476 : memref<!tpu.dma_semaphore, #tpu.memory_space<semaphore_mem>>) src(%dma_wait3A_474 : memref<100000x128xf32, #tpu.memory_space<hbm>>) dst(%dma_wait3A_468 : memref<128x128xf32, #tpu.memory_space<vmem>>)
    %add3A_477 = arith.constant 188416 : i32
    %add3A_478 = arith.addi %add3A_477, %multiple_of3A : i32
    %multiple_of3A_479 = tpu.assume_multiple %add3A_478, 128 : i32
    %dma_start3A_480 = arith.constant 1 : i32
    %dma_start3A_481 = arith.constant 1 : i32
    %dma_start3A_482 = arith.constant 0 : i32
    %dma_start3A_483 = arith.constant 0 : i32
    %dma_start3A_484 = tpu.memref_slice %arg6[%dma_start3A_480, %dma_start3A_482, %dma_start3A_483] : memref<5x128x128xf32, #tpu.memory_space<vmem>> -> memref<1x128x128xf32, #tpu.memory_space<vmem>>
    %dma_start3A_485 = tpu.memref_squeeze %dma_start3A_484 : memref<1x128x128xf32, #tpu.memory_space<vmem>> -> memref<128x128xf32, #tpu.memory_space<vmem>>
    %dma_start3A_486 = arith.constant 0 : i32
    %dma_start3A_487 = tpu.memref_slice %arg4[%multiple_of3A_479, %dma_start3A_486] : memref<204800x128xf32, #tpu.memory_space<hbm>> -> memref<128x128xf32, #tpu.memory_space<hbm>>
    %dma_start3A_488 = tpu.memref_slice %arg9[%dma_start3A_481] : memref<5x!tpu.dma_semaphore, #tpu.memory_space<semaphore_mem>> -> memref<1x!tpu.dma_semaphore, #tpu.memory_space<semaphore_mem>>
    %dma_start3A_489 = tpu.memref_squeeze %dma_start3A_488 : memref<1x!tpu.dma_semaphore, #tpu.memory_space<semaphore_mem>> -> memref<!tpu.dma_semaphore, #tpu.memory_space<semaphore_mem>>
    %dma_start3A_490 = arith.constant 0 : i32
    %dma_start3A_491 = tpu.memref_slice %arg4[%multiple_of3A_479, %dma_start3A_490] : memref<204800x128xf32, #tpu.memory_space<hbm>> -> memref<128x128xf32, #tpu.memory_space<hbm>>
    %dma_start3A_492 = arith.constant 0 : i32
    %dma_start3A_493 = arith.constant 0 : i32
    %dma_start3A_494 = tpu.memref_slice %arg6[%dma_start3A_480, %dma_start3A_492, %dma_start3A_493] : memref<5x128x128xf32, #tpu.memory_space<vmem>> -> memref<1x128x128xf32, #tpu.memory_space<vmem>>
    %dma_start3A_495 = tpu.memref_squeeze %dma_start3A_494 : memref<1x128x128xf32, #tpu.memory_space<vmem>> -> memref<128x128xf32, #tpu.memory_space<vmem>>
    tpu.enqueue_dma source(%dma_start3A_495 : memref<128x128xf32, #tpu.memory_space<vmem>>) target(%dma_start3A_491 : memref<128x128xf32, #tpu.memory_space<hbm>>) target_semaphore(%dma_start3A_489 : memref<!tpu.dma_semaphore, #tpu.memory_space<semaphore_mem>>)
    %dma_wait3A_496 = arith.constant 47 : i32
    %dma_wait3A_497 = arith.constant 2 : i32
    %dma_wait3A_498 = arith.constant 2 : i32
    %dma_wait3A_499 = arith.constant 0 : i32
    %dma_wait3A_500 = arith.constant 0 : i32
    %dma_wait3A_501 = tpu.memref_slice %arg6[%dma_wait3A_497, %dma_wait3A_499, %dma_wait3A_500] : memref<5x128x128xf32, #tpu.memory_space<vmem>> -> memref<1x128x128xf32, #tpu.memory_space<vmem>>
    %dma_wait3A_502 = tpu.memref_squeeze %dma_wait3A_501 : memref<1x128x128xf32, #tpu.memory_space<vmem>> -> memref<128x128xf32, #tpu.memory_space<vmem>>
    %dma_wait3A_503 = arith.constant 0 : i32
    %dma_wait3A_504 = tpu.memref_slice %arg5[%dma_wait3A_496, %dma_wait3A_503] : memref<50x128xi32, #tpu.memory_space<vmem>> -> memref<1x128xi32, #tpu.memory_space<vmem>>
    %dma_wait3A_505 = tpu.memref_squeeze %dma_wait3A_504 : memref<1x128xi32, #tpu.memory_space<vmem>> -> memref<128xi32, #tpu.memory_space<vmem>>
    %dma_wait3A_506 = arith.constant 0 : i32
    %dma_wait3A_507 = arith.constant 0 : i32
    %dma_wait3A_508 = tpu.memref_slice %arg2[%dma_wait3A_506, %dma_wait3A_507] : memref<100000x128xf32, #tpu.memory_space<hbm>> -> memref<100000x128xf32, #tpu.memory_space<hbm>>
    %dma_wait3A_509 = tpu.memref_slice %arg8[%dma_wait3A_498] : memref<5x!tpu.dma_semaphore, #tpu.memory_space<semaphore_mem>> -> memref<1x!tpu.dma_semaphore, #tpu.memory_space<semaphore_mem>>
    %dma_wait3A_510 = tpu.memref_squeeze %dma_wait3A_509 : memref<1x!tpu.dma_semaphore, #tpu.memory_space<semaphore_mem>> -> memref<!tpu.dma_semaphore, #tpu.memory_space<semaphore_mem>>
    tpu.wait_indirect_dma semaphore(%dma_wait3A_510 : memref<!tpu.dma_semaphore, #tpu.memory_space<semaphore_mem>>) src(%dma_wait3A_508 : memref<100000x128xf32, #tpu.memory_space<hbm>>) dst(%dma_wait3A_502 : memref<128x128xf32, #tpu.memory_space<vmem>>)
    %add3A_511 = arith.constant 192512 : i32
    %add3A_512 = arith.addi %add3A_511, %multiple_of3A : i32
    %multiple_of3A_513 = tpu.assume_multiple %add3A_512, 128 : i32
    %dma_start3A_514 = arith.constant 2 : i32
    %dma_start3A_515 = arith.constant 2 : i32
    %dma_start3A_516 = arith.constant 0 : i32
    %dma_start3A_517 = arith.constant 0 : i32
    %dma_start3A_518 = tpu.memref_slice %arg6[%dma_start3A_514, %dma_start3A_516, %dma_start3A_517] : memref<5x128x128xf32, #tpu.memory_space<vmem>> -> memref<1x128x128xf32, #tpu.memory_space<vmem>>
    %dma_start3A_519 = tpu.memref_squeeze %dma_start3A_518 : memref<1x128x128xf32, #tpu.memory_space<vmem>> -> memref<128x128xf32, #tpu.memory_space<vmem>>
    %dma_start3A_520 = arith.constant 0 : i32
    %dma_start3A_521 = tpu.memref_slice %arg4[%multiple_of3A_513, %dma_start3A_520] : memref<204800x128xf32, #tpu.memory_space<hbm>> -> memref<128x128xf32, #tpu.memory_space<hbm>>
    %dma_start3A_522 = tpu.memref_slice %arg9[%dma_start3A_515] : memref<5x!tpu.dma_semaphore, #tpu.memory_space<semaphore_mem>> -> memref<1x!tpu.dma_semaphore, #tpu.memory_space<semaphore_mem>>
    %dma_start3A_523 = tpu.memref_squeeze %dma_start3A_522 : memref<1x!tpu.dma_semaphore, #tpu.memory_space<semaphore_mem>> -> memref<!tpu.dma_semaphore, #tpu.memory_space<semaphore_mem>>
    %dma_start3A_524 = arith.constant 0 : i32
    %dma_start3A_525 = tpu.memref_slice %arg4[%multiple_of3A_513, %dma_start3A_524] : memref<204800x128xf32, #tpu.memory_space<hbm>> -> memref<128x128xf32, #tpu.memory_space<hbm>>
    %dma_start3A_526 = arith.constant 0 : i32
    %dma_start3A_527 = arith.constant 0 : i32
    %dma_start3A_528 = tpu.memref_slice %arg6[%dma_start3A_514, %dma_start3A_526, %dma_start3A_527] : memref<5x128x128xf32, #tpu.memory_space<vmem>> -> memref<1x128x128xf32, #tpu.memory_space<vmem>>
    %dma_start3A_529 = tpu.memref_squeeze %dma_start3A_528 : memref<1x128x128xf32, #tpu.memory_space<vmem>> -> memref<128x128xf32, #tpu.memory_space<vmem>>
    tpu.enqueue_dma source(%dma_start3A_529 : memref<128x128xf32, #tpu.memory_space<vmem>>) target(%dma_start3A_525 : memref<128x128xf32, #tpu.memory_space<hbm>>) target_semaphore(%dma_start3A_523 : memref<!tpu.dma_semaphore, #tpu.memory_space<semaphore_mem>>)
    %dma_wait3A_530 = arith.constant 48 : i32
    %dma_wait3A_531 = arith.constant 3 : i32
    %dma_wait3A_532 = arith.constant 3 : i32
    %dma_wait3A_533 = arith.constant 0 : i32
    %dma_wait3A_534 = arith.constant 0 : i32
    %dma_wait3A_535 = tpu.memref_slice %arg6[%dma_wait3A_531, %dma_wait3A_533, %dma_wait3A_534] : memref<5x128x128xf32, #tpu.memory_space<vmem>> -> memref<1x128x128xf32, #tpu.memory_space<vmem>>
    %dma_wait3A_536 = tpu.memref_squeeze %dma_wait3A_535 : memref<1x128x128xf32, #tpu.memory_space<vmem>> -> memref<128x128xf32, #tpu.memory_space<vmem>>
    %dma_wait3A_537 = arith.constant 0 : i32
    %dma_wait3A_538 = tpu.memref_slice %arg5[%dma_wait3A_530, %dma_wait3A_537] : memref<50x128xi32, #tpu.memory_space<vmem>> -> memref<1x128xi32, #tpu.memory_space<vmem>>
    %dma_wait3A_539 = tpu.memref_squeeze %dma_wait3A_538 : memref<1x128xi32, #tpu.memory_space<vmem>> -> memref<128xi32, #tpu.memory_space<vmem>>
    %dma_wait3A_540 = arith.constant 0 : i32
    %dma_wait3A_541 = arith.constant 0 : i32
    %dma_wait3A_542 = tpu.memref_slice %arg2[%dma_wait3A_540, %dma_wait3A_541] : memref<100000x128xf32, #tpu.memory_space<hbm>> -> memref<100000x128xf32, #tpu.memory_space<hbm>>
    %dma_wait3A_543 = tpu.memref_slice %arg8[%dma_wait3A_532] : memref<5x!tpu.dma_semaphore, #tpu.memory_space<semaphore_mem>> -> memref<1x!tpu.dma_semaphore, #tpu.memory_space<semaphore_mem>>
    %dma_wait3A_544 = tpu.memref_squeeze %dma_wait3A_543 : memref<1x!tpu.dma_semaphore, #tpu.memory_space<semaphore_mem>> -> memref<!tpu.dma_semaphore, #tpu.memory_space<semaphore_mem>>
    tpu.wait_indirect_dma semaphore(%dma_wait3A_544 : memref<!tpu.dma_semaphore, #tpu.memory_space<semaphore_mem>>) src(%dma_wait3A_542 : memref<100000x128xf32, #tpu.memory_space<hbm>>) dst(%dma_wait3A_536 : memref<128x128xf32, #tpu.memory_space<vmem>>)
    %add3A_545 = arith.constant 196608 : i32
    %add3A_546 = arith.addi %add3A_545, %multiple_of3A : i32
    %multiple_of3A_547 = tpu.assume_multiple %add3A_546, 128 : i32
    %dma_start3A_548 = arith.constant 3 : i32
    %dma_start3A_549 = arith.constant 3 : i32
    %dma_start3A_550 = arith.constant 0 : i32
    %dma_start3A_551 = arith.constant 0 : i32
    %dma_start3A_552 = tpu.memref_slice %arg6[%dma_start3A_548, %dma_start3A_550, %dma_start3A_551] : memref<5x128x128xf32, #tpu.memory_space<vmem>> -> memref<1x128x128xf32, #tpu.memory_space<vmem>>
    %dma_start3A_553 = tpu.memref_squeeze %dma_start3A_552 : memref<1x128x128xf32, #tpu.memory_space<vmem>> -> memref<128x128xf32, #tpu.memory_space<vmem>>
    %dma_start3A_554 = arith.constant 0 : i32
    %dma_start3A_555 = tpu.memref_slice %arg4[%multiple_of3A_547, %dma_start3A_554] : memref<204800x128xf32, #tpu.memory_space<hbm>> -> memref<128x128xf32, #tpu.memory_space<hbm>>
    %dma_start3A_556 = tpu.memref_slice %arg9[%dma_start3A_549] : memref<5x!tpu.dma_semaphore, #tpu.memory_space<semaphore_mem>> -> memref<1x!tpu.dma_semaphore, #tpu.memory_space<semaphore_mem>>
    %dma_start3A_557 = tpu.memref_squeeze %dma_start3A_556 : memref<1x!tpu.dma_semaphore, #tpu.memory_space<semaphore_mem>> -> memref<!tpu.dma_semaphore, #tpu.memory_space<semaphore_mem>>
    %dma_start3A_558 = arith.constant 0 : i32
    %dma_start3A_559 = tpu.memref_slice %arg4[%multiple_of3A_547, %dma_start3A_558] : memref<204800x128xf32, #tpu.memory_space<hbm>> -> memref<128x128xf32, #tpu.memory_space<hbm>>
    %dma_start3A_560 = arith.constant 0 : i32
    %dma_start3A_561 = arith.constant 0 : i32
    %dma_start3A_562 = tpu.memref_slice %arg6[%dma_start3A_548, %dma_start3A_560, %dma_start3A_561] : memref<5x128x128xf32, #tpu.memory_space<vmem>> -> memref<1x128x128xf32, #tpu.memory_space<vmem>>
    %dma_start3A_563 = tpu.memref_squeeze %dma_start3A_562 : memref<1x128x128xf32, #tpu.memory_space<vmem>> -> memref<128x128xf32, #tpu.memory_space<vmem>>
    tpu.enqueue_dma source(%dma_start3A_563 : memref<128x128xf32, #tpu.memory_space<vmem>>) target(%dma_start3A_559 : memref<128x128xf32, #tpu.memory_space<hbm>>) target_semaphore(%dma_start3A_557 : memref<!tpu.dma_semaphore, #tpu.memory_space<semaphore_mem>>)
    %dma_wait3A_564 = arith.constant 49 : i32
    %dma_wait3A_565 = arith.constant 4 : i32
    %dma_wait3A_566 = arith.constant 4 : i32
    %dma_wait3A_567 = arith.constant 0 : i32
    %dma_wait3A_568 = arith.constant 0 : i32
    %dma_wait3A_569 = tpu.memref_slice %arg6[%dma_wait3A_565, %dma_wait3A_567, %dma_wait3A_568] : memref<5x128x128xf32, #tpu.memory_space<vmem>> -> memref<1x128x128xf32, #tpu.memory_space<vmem>>
    %dma_wait3A_570 = tpu.memref_squeeze %dma_wait3A_569 : memref<1x128x128xf32, #tpu.memory_space<vmem>> -> memref<128x128xf32, #tpu.memory_space<vmem>>
    %dma_wait3A_571 = arith.constant 0 : i32
    %dma_wait3A_572 = tpu.memref_slice %arg5[%dma_wait3A_564, %dma_wait3A_571] : memref<50x128xi32, #tpu.memory_space<vmem>> -> memref<1x128xi32, #tpu.memory_space<vmem>>
    %dma_wait3A_573 = tpu.memref_squeeze %dma_wait3A_572 : memref<1x128xi32, #tpu.memory_space<vmem>> -> memref<128xi32, #tpu.memory_space<vmem>>
    %dma_wait3A_574 = arith.constant 0 : i32
    %dma_wait3A_575 = arith.constant 0 : i32
    %dma_wait3A_576 = tpu.memref_slice %arg2[%dma_wait3A_574, %dma_wait3A_575] : memref<100000x128xf32, #tpu.memory_space<hbm>> -> memref<100000x128xf32, #tpu.memory_space<hbm>>
    %dma_wait3A_577 = tpu.memref_slice %arg8[%dma_wait3A_566] : memref<5x!tpu.dma_semaphore, #tpu.memory_space<semaphore_mem>> -> memref<1x!tpu.dma_semaphore, #tpu.memory_space<semaphore_mem>>
    %dma_wait3A_578 = tpu.memref_squeeze %dma_wait3A_577 : memref<1x!tpu.dma_semaphore, #tpu.memory_space<semaphore_mem>> -> memref<!tpu.dma_semaphore, #tpu.memory_space<semaphore_mem>>
    tpu.wait_indirect_dma semaphore(%dma_wait3A_578 : memref<!tpu.dma_semaphore, #tpu.memory_space<semaphore_mem>>) src(%dma_wait3A_576 : memref<100000x128xf32, #tpu.memory_space<hbm>>) dst(%dma_wait3A_570 : memref<128x128xf32, #tpu.memory_space<vmem>>)
    %add3A_579 = arith.constant 200704 : i32
    %add3A_580 = arith.addi %add3A_579, %multiple_of3A : i32
    %multiple_of3A_581 = tpu.assume_multiple %add3A_580, 128 : i32
    %dma_start3A_582 = arith.constant 4 : i32
    %dma_start3A_583 = arith.constant 4 : i32
    %dma_start3A_584 = arith.constant 0 : i32
    %dma_start3A_585 = arith.constant 0 : i32
    %dma_start3A_586 = tpu.memref_slice %arg6[%dma_start3A_582, %dma_start3A_584, %dma_start3A_585] : memref<5x128x128xf32, #tpu.memory_space<vmem>> -> memref<1x128x128xf32, #tpu.memory_space<vmem>>
    %dma_start3A_587 = tpu.memref_squeeze %dma_start3A_586 : memref<1x128x128xf32, #tpu.memory_space<vmem>> -> memref<128x128xf32, #tpu.memory_space<vmem>>
    %dma_start3A_588 = arith.constant 0 : i32
    %dma_start3A_589 = tpu.memref_slice %arg4[%multiple_of3A_581, %dma_start3A_588] : memref<204800x128xf32, #tpu.memory_space<hbm>> -> memref<128x128xf32, #tpu.memory_space<hbm>>
    %dma_start3A_590 = tpu.memref_slice %arg9[%dma_start3A_583] : memref<5x!tpu.dma_semaphore, #tpu.memory_space<semaphore_mem>> -> memref<1x!tpu.dma_semaphore, #tpu.memory_space<semaphore_mem>>
    %dma_start3A_591 = tpu.memref_squeeze %dma_start3A_590 : memref<1x!tpu.dma_semaphore, #tpu.memory_space<semaphore_mem>> -> memref<!tpu.dma_semaphore, #tpu.memory_space<semaphore_mem>>
    %dma_start3A_592 = arith.constant 0 : i32
    %dma_start3A_593 = tpu.memref_slice %arg4[%multiple_of3A_581, %dma_start3A_592] : memref<204800x128xf32, #tpu.memory_space<hbm>> -> memref<128x128xf32, #tpu.memory_space<hbm>>
    %dma_start3A_594 = arith.constant 0 : i32
    %dma_start3A_595 = arith.constant 0 : i32
    %dma_start3A_596 = tpu.memref_slice %arg6[%dma_start3A_582, %dma_start3A_594, %dma_start3A_595] : memref<5x128x128xf32, #tpu.memory_space<vmem>> -> memref<1x128x128xf32, #tpu.memory_space<vmem>>
    %dma_start3A_597 = tpu.memref_squeeze %dma_start3A_596 : memref<1x128x128xf32, #tpu.memory_space<vmem>> -> memref<128x128xf32, #tpu.memory_space<vmem>>
    tpu.enqueue_dma source(%dma_start3A_597 : memref<128x128xf32, #tpu.memory_space<vmem>>) target(%dma_start3A_593 : memref<128x128xf32, #tpu.memory_space<hbm>>) target_semaphore(%dma_start3A_591 : memref<!tpu.dma_semaphore, #tpu.memory_space<semaphore_mem>>)
    %add3A_598 = arith.constant 184320 : i32
    %add3A_599 = arith.addi %add3A_598, %multiple_of3A : i32
    %multiple_of3A_600 = tpu.assume_multiple %add3A_599, 128 : i32
    %dma_wait3A_601 = arith.constant 0 : i32
    %dma_wait3A_602 = arith.constant 0 : i32
    %dma_wait3A_603 = arith.constant 0 : i32
    %dma_wait3A_604 = arith.constant 0 : i32
    %dma_wait3A_605 = tpu.memref_slice %arg6[%dma_wait3A_601, %dma_wait3A_603, %dma_wait3A_604] : memref<5x128x128xf32, #tpu.memory_space<vmem>> -> memref<1x128x128xf32, #tpu.memory_space<vmem>>
    %dma_wait3A_606 = tpu.memref_squeeze %dma_wait3A_605 : memref<1x128x128xf32, #tpu.memory_space<vmem>> -> memref<128x128xf32, #tpu.memory_space<vmem>>
    %dma_wait3A_607 = arith.constant 0 : i32
    %dma_wait3A_608 = tpu.memref_slice %arg4[%multiple_of3A_600, %dma_wait3A_607] : memref<204800x128xf32, #tpu.memory_space<hbm>> -> memref<128x128xf32, #tpu.memory_space<hbm>>
    %dma_wait3A_609 = tpu.memref_slice %arg9[%dma_wait3A_602] : memref<5x!tpu.dma_semaphore, #tpu.memory_space<semaphore_mem>> -> memref<1x!tpu.dma_semaphore, #tpu.memory_space<semaphore_mem>>
    %dma_wait3A_610 = tpu.memref_squeeze %dma_wait3A_609 : memref<1x!tpu.dma_semaphore, #tpu.memory_space<semaphore_mem>> -> memref<!tpu.dma_semaphore, #tpu.memory_space<semaphore_mem>>
    %dma_wait3A_611 = arith.constant 0 : i32
    %dma_wait3A_612 = tpu.memref_slice %arg4[%multiple_of3A_600, %dma_wait3A_611] : memref<204800x128xf32, #tpu.memory_space<hbm>> -> memref<128x128xf32, #tpu.memory_space<hbm>>
    %dma_wait3A_613 = arith.constant 0 : i32
    %dma_wait3A_614 = arith.constant 0 : i32
    %dma_wait3A_615 = tpu.memref_slice %arg6[%dma_wait3A_601, %dma_wait3A_613, %dma_wait3A_614] : memref<5x128x128xf32, #tpu.memory_space<vmem>> -> memref<1x128x128xf32, #tpu.memory_space<vmem>>
    %dma_wait3A_616 = tpu.memref_squeeze %dma_wait3A_615 : memref<1x128x128xf32, #tpu.memory_space<vmem>> -> memref<128x128xf32, #tpu.memory_space<vmem>>
    tpu.wait_dma2 semaphore(%dma_wait3A_610 : memref<!tpu.dma_semaphore, #tpu.memory_space<semaphore_mem>>) src(%dma_wait3A_616 : memref<128x128xf32, #tpu.memory_space<vmem>>) dst(%dma_wait3A_612 : memref<128x128xf32, #tpu.memory_space<hbm>>)
    %add3A_617 = arith.constant 188416 : i32
    %add3A_618 = arith.addi %add3A_617, %multiple_of3A : i32
    %multiple_of3A_619 = tpu.assume_multiple %add3A_618, 128 : i32
    %dma_wait3A_620 = arith.constant 1 : i32
    %dma_wait3A_621 = arith.constant 1 : i32
    %dma_wait3A_622 = arith.constant 0 : i32
    %dma_wait3A_623 = arith.constant 0 : i32
    %dma_wait3A_624 = tpu.memref_slice %arg6[%dma_wait3A_620, %dma_wait3A_622, %dma_wait3A_623] : memref<5x128x128xf32, #tpu.memory_space<vmem>> -> memref<1x128x128xf32, #tpu.memory_space<vmem>>
    %dma_wait3A_625 = tpu.memref_squeeze %dma_wait3A_624 : memref<1x128x128xf32, #tpu.memory_space<vmem>> -> memref<128x128xf32, #tpu.memory_space<vmem>>
    %dma_wait3A_626 = arith.constant 0 : i32
    %dma_wait3A_627 = tpu.memref_slice %arg4[%multiple_of3A_619, %dma_wait3A_626] : memref<204800x128xf32, #tpu.memory_space<hbm>> -> memref<128x128xf32, #tpu.memory_space<hbm>>
    %dma_wait3A_628 = tpu.memref_slice %arg9[%dma_wait3A_621] : memref<5x!tpu.dma_semaphore, #tpu.memory_space<semaphore_mem>> -> memref<1x!tpu.dma_semaphore, #tpu.memory_space<semaphore_mem>>
    %dma_wait3A_629 = tpu.memref_squeeze %dma_wait3A_628 : memref<1x!tpu.dma_semaphore, #tpu.memory_space<semaphore_mem>> -> memref<!tpu.dma_semaphore, #tpu.memory_space<semaphore_mem>>
    %dma_wait3A_630 = arith.constant 0 : i32
    %dma_wait3A_631 = tpu.memref_slice %arg4[%multiple_of3A_619, %dma_wait3A_630] : memref<204800x128xf32, #tpu.memory_space<hbm>> -> memref<128x128xf32, #tpu.memory_space<hbm>>
    %dma_wait3A_632 = arith.constant 0 : i32
    %dma_wait3A_633 = arith.constant 0 : i32
    %dma_wait3A_634 = tpu.memref_slice %arg6[%dma_wait3A_620, %dma_wait3A_632, %dma_wait3A_633] : memref<5x128x128xf32, #tpu.memory_space<vmem>> -> memref<1x128x128xf32, #tpu.memory_space<vmem>>
    %dma_wait3A_635 = tpu.memref_squeeze %dma_wait3A_634 : memref<1x128x128xf32, #tpu.memory_space<vmem>> -> memref<128x128xf32, #tpu.memory_space<vmem>>
    tpu.wait_dma2 semaphore(%dma_wait3A_629 : memref<!tpu.dma_semaphore, #tpu.memory_space<semaphore_mem>>) src(%dma_wait3A_635 : memref<128x128xf32, #tpu.memory_space<vmem>>) dst(%dma_wait3A_631 : memref<128x128xf32, #tpu.memory_space<hbm>>)
    %add3A_636 = arith.constant 192512 : i32
    %add3A_637 = arith.addi %add3A_636, %multiple_of3A : i32
    %multiple_of3A_638 = tpu.assume_multiple %add3A_637, 128 : i32
    %dma_wait3A_639 = arith.constant 2 : i32
    %dma_wait3A_640 = arith.constant 2 : i32
    %dma_wait3A_641 = arith.constant 0 : i32
    %dma_wait3A_642 = arith.constant 0 : i32
    %dma_wait3A_643 = tpu.memref_slice %arg6[%dma_wait3A_639, %dma_wait3A_641, %dma_wait3A_642] : memref<5x128x128xf32, #tpu.memory_space<vmem>> -> memref<1x128x128xf32, #tpu.memory_space<vmem>>
    %dma_wait3A_644 = tpu.memref_squeeze %dma_wait3A_643 : memref<1x128x128xf32, #tpu.memory_space<vmem>> -> memref<128x128xf32, #tpu.memory_space<vmem>>
    %dma_wait3A_645 = arith.constant 0 : i32
    %dma_wait3A_646 = tpu.memref_slice %arg4[%multiple_of3A_638, %dma_wait3A_645] : memref<204800x128xf32, #tpu.memory_space<hbm>> -> memref<128x128xf32, #tpu.memory_space<hbm>>
    %dma_wait3A_647 = tpu.memref_slice %arg9[%dma_wait3A_640] : memref<5x!tpu.dma_semaphore, #tpu.memory_space<semaphore_mem>> -> memref<1x!tpu.dma_semaphore, #tpu.memory_space<semaphore_mem>>
    %dma_wait3A_648 = tpu.memref_squeeze %dma_wait3A_647 : memref<1x!tpu.dma_semaphore, #tpu.memory_space<semaphore_mem>> -> memref<!tpu.dma_semaphore, #tpu.memory_space<semaphore_mem>>
    %dma_wait3A_649 = arith.constant 0 : i32
    %dma_wait3A_650 = tpu.memref_slice %arg4[%multiple_of3A_638, %dma_wait3A_649] : memref<204800x128xf32, #tpu.memory_space<hbm>> -> memref<128x128xf32, #tpu.memory_space<hbm>>
    %dma_wait3A_651 = arith.constant 0 : i32
    %dma_wait3A_652 = arith.constant 0 : i32
    %dma_wait3A_653 = tpu.memref_slice %arg6[%dma_wait3A_639, %dma_wait3A_651, %dma_wait3A_652] : memref<5x128x128xf32, #tpu.memory_space<vmem>> -> memref<1x128x128xf32, #tpu.memory_space<vmem>>
    %dma_wait3A_654 = tpu.memref_squeeze %dma_wait3A_653 : memref<1x128x128xf32, #tpu.memory_space<vmem>> -> memref<128x128xf32, #tpu.memory_space<vmem>>
    tpu.wait_dma2 semaphore(%dma_wait3A_648 : memref<!tpu.dma_semaphore, #tpu.memory_space<semaphore_mem>>) src(%dma_wait3A_654 : memref<128x128xf32, #tpu.memory_space<vmem>>) dst(%dma_wait3A_650 : memref<128x128xf32, #tpu.memory_space<hbm>>)
    %add3A_655 = arith.constant 196608 : i32
    %add3A_656 = arith.addi %add3A_655, %multiple_of3A : i32
    %multiple_of3A_657 = tpu.assume_multiple %add3A_656, 128 : i32
    %dma_wait3A_658 = arith.constant 3 : i32
    %dma_wait3A_659 = arith.constant 3 : i32
    %dma_wait3A_660 = arith.constant 0 : i32
    %dma_wait3A_661 = arith.constant 0 : i32
    %dma_wait3A_662 = tpu.memref_slice %arg6[%dma_wait3A_658, %dma_wait3A_660, %dma_wait3A_661] : memref<5x128x128xf32, #tpu.memory_space<vmem>> -> memref<1x128x128xf32, #tpu.memory_space<vmem>>
    %dma_wait3A_663 = tpu.memref_squeeze %dma_wait3A_662 : memref<1x128x128xf32, #tpu.memory_space<vmem>> -> memref<128x128xf32, #tpu.memory_space<vmem>>
    %dma_wait3A_664 = arith.constant 0 : i32
    %dma_wait3A_665 = tpu.memref_slice %arg4[%multiple_of3A_657, %dma_wait3A_664] : memref<204800x128xf32, #tpu.memory_space<hbm>> -> memref<128x128xf32, #tpu.memory_space<hbm>>
    %dma_wait3A_666 = tpu.memref_slice %arg9[%dma_wait3A_659] : memref<5x!tpu.dma_semaphore, #tpu.memory_space<semaphore_mem>> -> memref<1x!tpu.dma_semaphore, #tpu.memory_space<semaphore_mem>>
    %dma_wait3A_667 = tpu.memref_squeeze %dma_wait3A_666 : memref<1x!tpu.dma_semaphore, #tpu.memory_space<semaphore_mem>> -> memref<!tpu.dma_semaphore, #tpu.memory_space<semaphore_mem>>
    %dma_wait3A_668 = arith.constant 0 : i32
    %dma_wait3A_669 = tpu.memref_slice %arg4[%multiple_of3A_657, %dma_wait3A_668] : memref<204800x128xf32, #tpu.memory_space<hbm>> -> memref<128x128xf32, #tpu.memory_space<hbm>>
    %dma_wait3A_670 = arith.constant 0 : i32
    %dma_wait3A_671 = arith.constant 0 : i32
    %dma_wait3A_672 = tpu.memref_slice %arg6[%dma_wait3A_658, %dma_wait3A_670, %dma_wait3A_671] : memref<5x128x128xf32, #tpu.memory_space<vmem>> -> memref<1x128x128xf32, #tpu.memory_space<vmem>>
    %dma_wait3A_673 = tpu.memref_squeeze %dma_wait3A_672 : memref<1x128x128xf32, #tpu.memory_space<vmem>> -> memref<128x128xf32, #tpu.memory_space<vmem>>
    tpu.wait_dma2 semaphore(%dma_wait3A_667 : memref<!tpu.dma_semaphore, #tpu.memory_space<semaphore_mem>>) src(%dma_wait3A_673 : memref<128x128xf32, #tpu.memory_space<vmem>>) dst(%dma_wait3A_669 : memref<128x128xf32, #tpu.memory_space<hbm>>)
    %add3A_674 = arith.constant 200704 : i32
    %add3A_675 = arith.addi %add3A_674, %multiple_of3A : i32
    %multiple_of3A_676 = tpu.assume_multiple %add3A_675, 128 : i32
    %dma_wait3A_677 = arith.constant 4 : i32
    %dma_wait3A_678 = arith.constant 4 : i32
    %dma_wait3A_679 = arith.constant 0 : i32
    %dma_wait3A_680 = arith.constant 0 : i32
    %dma_wait3A_681 = tpu.memref_slice %arg6[%dma_wait3A_677, %dma_wait3A_679, %dma_wait3A_680] : memref<5x128x128xf32, #tpu.memory_space<vmem>> -> memref<1x128x128xf32, #tpu.memory_space<vmem>>
    %dma_wait3A_682 = tpu.memref_squeeze %dma_wait3A_681 : memref<1x128x128xf32, #tpu.memory_space<vmem>> -> memref<128x128xf32, #tpu.memory_space<vmem>>
    %dma_wait3A_683 = arith.constant 0 : i32
    %dma_wait3A_684 = tpu.memref_slice %arg4[%multiple_of3A_676, %dma_wait3A_683] : memref<204800x128xf32, #tpu.memory_space<hbm>> -> memref<128x128xf32, #tpu.memory_space<hbm>>
    %dma_wait3A_685 = tpu.memref_slice %arg9[%dma_wait3A_678] : memref<5x!tpu.dma_semaphore, #tpu.memory_space<semaphore_mem>> -> memref<1x!tpu.dma_semaphore, #tpu.memory_space<semaphore_mem>>
    %dma_wait3A_686 = tpu.memref_squeeze %dma_wait3A_685 : memref<1x!tpu.dma_semaphore, #tpu.memory_space<semaphore_mem>> -> memref<!tpu.dma_semaphore, #tpu.memory_space<semaphore_mem>>
    %dma_wait3A_687 = arith.constant 0 : i32
    %dma_wait3A_688 = tpu.memref_slice %arg4[%multiple_of3A_676, %dma_wait3A_687] : memref<204800x128xf32, #tpu.memory_space<hbm>> -> memref<128x128xf32, #tpu.memory_space<hbm>>
    %dma_wait3A_689 = arith.constant 0 : i32
    %dma_wait3A_690 = arith.constant 0 : i32
    %dma_wait3A_691 = tpu.memref_slice %arg6[%dma_wait3A_677, %dma_wait3A_689, %dma_wait3A_690] : memref<5x128x128xf32, #tpu.memory_space<vmem>> -> memref<1x128x128xf32, #tpu.memory_space<vmem>>
    %dma_wait3A_692 = tpu.memref_squeeze %dma_wait3A_691 : memref<1x128x128xf32, #tpu.memory_space<vmem>> -> memref<128x128xf32, #tpu.memory_space<vmem>>
    tpu.wait_dma2 semaphore(%dma_wait3A_686 : memref<!tpu.dma_semaphore, #tpu.memory_space<semaphore_mem>>) src(%dma_wait3A_692 : memref<128x128xf32, #tpu.memory_space<vmem>>) dst(%dma_wait3A_688 : memref<128x128xf32, #tpu.memory_space<hbm>>)
    return
  }
}

</mosaic_0001>

<sc_bundles>
// kernel: kernel.3.cloned.1.call-start
scs
__scs_entry_jumppad:
0x0: {  	(pc) =	sbr.rel $0x88, $3  }
0x1: {  	(tag) =	ssettag $0x0;
	lr =	simm.s32 $0x1  }
0x2: {  	[smem:$0x3F9F] =	sst lr;
	_ =	strace $0xD0000000  }
0x3: {  	_ = 	snop  }
0x4: {  	_ = 	snop  }
0x5: {  	_ = 	snop  }
0x6: {  	_ = 	snop  }
0x7: {  	_ = 	snop  }
__scs_overlays_trampoline_lowered:
0x8: {  	[smem:$0x3FAE] =	sst s0  }
0x9: {  	[smem:$0x3FAF] =	sst s1  }
0xa: {  	[smem:$0x3FB0] =	sst s2  }
0xb: {  	[smem:$0x3FB1] =	sst s3  }
0xc: {  	[smem:$0x3FB2] =	sst s4  }
0xd: {  	[smem:$0x3FB3] =	sst s5  }
0xe: {  	[smem:$0x3FB4] =	sst s6  }
0xf: {  	[smem:$0x3FB5] =	sst s7  }
0x10: {  	[smem:$0x3FB6] =	sst s8  }
0x11: {  	[smem:$0x3FB7] =	sst s9;
	s0 =	simm.s32 @!p0 $0x0  }
0x12: {  	s1 =	sld [smem:$0x3F9D];
	s0 =	simm.s32 @p0 $0x1  }
0x13: {  	[smem:$0x3FB8] =	sst s0;
	s0 =	simm.s32 @!p1 $0x0  }
0x14: {  	s2 =	sld [smem:$0x3F9C];
	s0 =	simm.s32 @p1 $0x1  }
0x15: {  	[smem:$0x3FB9] =	sst s0;
	s0 =	simm.s32 @!p2 $0x0  }
0x16: {  	s3 =	sld [smem:$0x3FDB];
	s0 =	simm.s32 @p2 $0x1  }
0x17: {  	s4 =	simm.s32 $0x1BF5;
	[smem:$0x3FBB] =	sst s0  }
0x18: {  	s0 =	sld [smem:$0x3F9E];
	_ =	swait.ge [sflag:s4], $0x0  }
0x19: {  	s7 =	sld [smem:$0x3F9F]  }
0x1a: {  	s8 =	sadd.s32 $0xFFFFE003, lr  }
0x1b: {  	s9 =	sadd.s32 $0xFFFFFEF7, lr;
	s5 =	simm.s32 $0xFFFFFFFF;
	p2 =	slt.u32 s8, $0xFFFFF086  }
0x1c: {  	p1 =	slt.u32 s9, $0xF7A;
	s5 =	simm.s32 @!p2 $0x0  }
0x1d: {  	s5 =	simm.s32 @p1 $0x1;
	p0 =	seq.s32 s7, s2  }
0x1e: {  	s7 =	smul.u32 @!p0 $0xF7A, s2;
	p2 =	seq.s32 @!p0 s5, $0x0  }
0x1f: {  	s9 =	smul.u32 $0xF7A, s1;
	s8 =	simm.s32 @!p0 $0x1BF5;
	p2 =	por !p2, p0  }
0x20: {  	[sflag:s8] =	ssyncset.s32 @!p0 $0xFFFFF086;
	s6 =	sadd.s32 @!p0 s3, s7;
	s7 =	simm.s32 @!p0 $0x108  }
0x21: {  	s3 =	sadd.s32 s3, s9;
	s6 =	sadd.s32 @!p0 $0x88, s6;
	s7 =	simm.s32 @p2 $0x1082  }
0x22: {  	[simem:s7], [sflag:s8] =	dma.local @!p0 [hbm:s6], $0xF7A  }
0x23: {  	s9 =	sor.u32 $0xD0000000, s2;
	s6 =	simm.s32 $0x108;
	_ =	swait.ge @!p0 [sflag:s8], $0x0  }
0x24: {  	s3 =	sadd.s32 $0x88, s3;
	s6 =	simm.s32 @!p1 $0x1082;
	[sflag:s4] =	ssyncset.s32 $0xFFFFF086  }
0x25: {  	[simem:s6], [sflag:s4] =	dma.local [hbm:s3], $0xF7A  }
0x26: {  	[smem:$0x3F9F] =	sst s1;
	(tag) =	ssettag s2;
	_ =	strace s9  }
0x27: {  	s1 =	sld [smem:$0x3FAF]  }
0x28: {  	s2 =	sld [smem:$0x3FB0]  }
0x29: {  	s4 =	sld [smem:$0x3FB2]  }
0x2a: {  	p0 =	seq.s32 s5, $0x0;
	s5 =	sld [smem:$0x3FB3]  }
0x2b: {  	s6 =	sld [smem:$0x3FB4]  }
0x2c: {  	s7 =	sld [smem:$0x3FB5]  }
0x2d: {  	s3 =	simm.s32 $0x108;
	s8 =	sld [smem:$0x3FB6]  }
0x2e: {  	s3 =	simm.s32 @!p0 $0x1082;
	s9 =	sld [smem:$0x3FB7]  }
0x2f: {  	lr =	sadd.s32 s0, s3;
	s0 =	sld [smem:$0x3FAE]  }
0x30: {  	s3 =	sld [smem:$0x3FB1]  }
0x31: {  	[smem:$0x3FBA] =	sst s10  }
0x32: {  	s10 =	sld [smem:$0x3FB8];
	_ =	sdelay $0x3  }
0x33: {  	p0 =	seq.s32 s10, $0x1;
	s10 =	sld [smem:$0x3FBA];
	_ =	sdelay $0x3  }
0x34: {  	[smem:$0x3FBA] =	sst s10  }
0x35: {  	s10 =	sld [smem:$0x3FB9];
	_ =	sdelay $0x3  }
0x36: {  	p1 =	seq.s32 s10, $0x1;
	s10 =	sld [smem:$0x3FBA];
	_ =	sdelay $0x3  }
0x37: {  	[smem:$0x3FBA] =	sst s10  }
0x38: {  	s10 =	sld [smem:$0x3FBB]  }
0x39: {  	_ = 	snop;
	(pc) =	sbr.ind lr, $3  }
0x3a: {  	_ = 	snop  }
0x3b: {  	_ = 	snop  }
0x3c: {  	p2 =	seq.s32 s10, $0x1;
	s10 =	sld [smem:$0x3FBA]  }
0x3d: {  	_ =	shalt  }
0x3e: {  	_ =	shalt  }
0x3f: {  	_ =	shalt  }
0x40: {  	_ =	shalt  }
0x41: {  	_ =	shalt  }
0x42: {  	_ =	shalt  }
0x43: {  	_ =	shalt  }
0x44: {  	_ =	shalt  }
0x45: {  	_ =	shalt  }
0x46: {  	_ =	shalt  }
0x47: {  	_ =	shalt  }
0x48: {  	_ =	shalt  }
0x49: {  	_ =	shalt  }
0x4a: {  	_ =	shalt  }
0x4b: {  	_ =	shalt  }
0x4c: {  	_ =	shalt  }
0x4d: {  	_ =	shalt  }
0x4e: {  	_ =	shalt  }
0x4f: {  	_ =	shalt  }
0x50: {  	_ =	shalt  }
0x51: {  	_ =	shalt  }
0x52: {  	_ =	shalt  }
0x53: {  	_ =	shalt  }
0x54: {  	_ =	shalt  }
0x55: {  	_ =	shalt  }
0x56: {  	_ =	shalt  }
0x57: {  	_ =	shalt  }
0x58: {  	_ =	shalt  }
0x59: {  	_ =	shalt  }
0x5a: {  	_ =	shalt  }
0x5b: {  	_ =	shalt  }
0x5c: {  	_ =	shalt  }
0x5d: {  	_ =	shalt  }
0x5e: {  	_ =	shalt  }
0x5f: {  	_ =	shalt  }
0x60: {  	_ =	shalt  }
0x61: {  	_ =	shalt  }
0x62: {  	_ =	shalt  }
0x63: {  	_ =	shalt  }
0x64: {  	_ =	shalt  }
0x65: {  	_ =	shalt  }
0x66: {  	_ =	shalt  }
0x67: {  	_ =	shalt  }
0x68: {  	_ =	shalt  }
0x69: {  	_ =	shalt  }
0x6a: {  	_ =	shalt  }
0x6b: {  	_ =	shalt  }
0x6c: {  	_ =	shalt  }
0x6d: {  	_ =	shalt  }
0x6e: {  	_ =	shalt  }
0x6f: {  	_ =	shalt  }
0x70: {  	_ =	shalt  }
0x71: {  	_ =	shalt  }
0x72: {  	_ =	shalt  }
0x73: {  	_ =	shalt  }
0x74: {  	_ =	shalt  }
0x75: {  	_ =	shalt  }
0x76: {  	_ =	shalt  }
0x77: {  	_ =	shalt  }
0x78: {  	_ =	shalt  }
0x79: {  	_ =	shalt  }
0x7a: {  	_ =	shalt  }
0x7b: {  	_ =	shalt  }
0x7c: {  	_ =	shalt  }
0x7d: {  	_ =	shalt  }
0x7e: {  	_ =	shalt  }
0x7f: {  	_ =	shalt  }
0x80: {  	_ =	shalt  }
0x81: {  	_ =	shalt  }
0x82: {  	_ =	shalt  }
0x83: {  	_ =	shalt  }
0x84: {  	_ =	shalt  }
0x85: {  	_ =	shalt  }
0x86: {  	_ =	shalt  }
0x87: {  	_ =	shalt  }
.Lfunc_end0:
.L_simem_size_0:
called_computation_lowered:
.L_overlay_start_0:
0x88: {  	s2 =	sld [smem:$0x3FD9]  }
0x89: {  	s3 =	sld [smem:$0x3FFE];
	_ =	sdelay $0x1  }
0x8a: {  	s1 =	srdreg.scid  }
0x8b: {  	s0 =	sand.u32 $0x1, s1  }
0x8c: {  	s18 =	sshll.u32 s0, $0xA;
	s2 =	sadd.s32 s3, s2  }
0x8d: {  	s2 =	sadd.s32 s2, s18  }
0x8e: {  	[smem:$0x3FC6] =	sst s2  }
0x8f: {  	_ = 	snop  }
0x90: {  	s2 =	sld [smem:$0x3FC9]  }
0x91: {  	s19 =	sld [smem:$0x3FC8]  }
0x92: {  	s4 =	sld [smem:$0x3FD0];
	(tm) =	ssettm $0x1  }
0x93: {  	s5 =	sld [smem:$0x3FFB];
	_ =	sdelay $0x3  }
0x94: {  	_ =	strace s5  }
0x95: {  	s5 =	sld [smem:$0x3FFC];
	_ =	sdelay $0x3  }
0x96: {  	_ =	strace s5  }
0x97: {  	s5 =	sld [smem:$0x3FFD];
	_ =	sdelay $0x3  }
0x98: {  	_ =	strace s5  }
0x99: {  	_ =	strace $0x8FFFFFFF  }
0x9a: {  	s20 =	sld [smem:$0x3FDB];
	_ =	sdelay $0x1  }
0x9b: {  	s6 =	simm.s32 $_scs_section_size  }
0x9c: {  	s7 =	simm.s32 $_size__tile_overlayer_lowered;
	s8 =	simm.s32 $_tile_overlayer_lowered  }
0x9d: {  	s23 =	simm.s32 $0x1BFF;
	s22 =	sshll.u32 s8, $0x1;
	s5 =	sadd.s32 s6, s20  }
0x9e: {  	s9 =	simm.s32 $0x0;
	s21 =	sshll.u32 s7, $0x1;
	s7 =	sadd.s32 s22, s5  }
0x9f: {  	[timem:s9], [sflag:s23] =	dma.local [hbm:s7], s21  }
0xa0: {  	_ =	swait.ge [sflag:s23], s21  }
0xa1: {  	s6 =	ssub.s32 $0x0, s21;
	[sflag:s23] =	ssyncset.done $0x0  }
0xa2: {  	[sflag:s23] =	ssyncadd.s32 s6;
	_ =	sdelay $0x1  }
0xa3: {  	s24 =	simm.s32 $0x1B8B  }
0xa4: {  	_ =	swait.ge [sflag:s24], $0x1  }
0xa5: {  	[sflag:s24] =	ssyncset.done $0x0  }
0xa6: {  	s25 =	simm.s32 $0x1B8E;
	[sflag:s24] =	ssyncadd.s32 $0xFFFFFFFF  }
0xa7: {  	s26 =	simm.s32 $execute0_lowered;
	[smem:$0x3FD2] =	sst s25  }
0xa8: {  	s6 =	sshll.u32 s26, $0x1;
	_ =	strace $0x80000046;
	[dreg:$0x1] =	wrdreg $0xFFFFFFFF  }
0xa9: {  	s28 =	simm.s32 $_size_execute0_lowered;
	s5 =	sadd.s32 s5, s6;
	[dreg:$0x0] =	wrdreg $0x0  }
0xaa: {  	s6 =	sshll.u32 s28, $0x1;
	[dreg:$0x2] =	wrdreg s5  }
0xab: {  	[dreg:$0x3] =	wrdreg s6  }
0xac: {  	[dreg:$0x4] =	wrdreg $0xC0  }
0xad: {  	_ =	task [dreg:s9], $0x5FFFF  }
0xae: {  	[dreg:$0x1] =	wrdreg $0xFFFFFFFF  }
0xaf: {  	[dreg:$0x0] =	wrdreg $0x60  }
0xb0: {  	[dreg:$0x2] =	wrdreg s19  }
0xb1: {  	[dreg:$0x3] =	wrdreg s2  }
0xb2: {  	[dreg:$0x4] =	wrdreg s4  }
0xb3: {  	[dreg:$0x5] =	wrdreg $0x9  }
0xb4: {  	_ =	task.clear_ibuf [dreg:s9], $0x6FFFF;
	_ =	strace $0x90000046  }
0xb5: {  	s29 =	simm.s32 $0x9;
	_ =	strace $0x80000048  }
0xb6: {  	_ =	swait.ge [sflag:s29], $0x1  }
0xb7: {  	[sflag:s29] =	ssyncadd.s32 $0xFFFFFFFF  }
0xb8: {  	_ =	strace $0x90000048  }
0xb9: {  	_ =	sfence  }
0xba: {  	s30 =	sld [smem:$0x0];
	_ =	sdelay $0x2  }
0xbb: {  	s31 =	sshll.u32 s1, $0xD;
	s1 =	sshrl.u32 s1, $0x2  }
0xbc: {  	s3 =	sand.u32 $0x4000, s31;
	s1 =	sadd.s32 s1, s30  }
0xbd: {  	s0 =	sor.u32 s3, s0;
	s1 =	sshll.u32 s1, $0x11  }
0xbe: {  	s0 =	sor.u32 s1, s0  }
0xbf: {  	s0 =	sadd.s32 $0x8F2B, s0  }
0xc0: {  	[sflag:s0] =	ssyncadd.remote.s32 $0x1  }
0xc1: {  	_ =	sfence.sel $0xFFFF  }
0xc2: {  	[dreg:$0x0] =	wrdreg $0xFFFFFFFF;
	(pc) =	sbr.abs _section_cstart, $3  }
0xc3: {  	[dreg:$0x1] =	wrdreg $0xFFFFFFFF  }
0xc4: {  	_ =	task.clear_ibuf [dreg:s9], $0x2FFFF;
	_ =	strace $0x9FFFFFFF  }
0xc5: {  	(tm) =	ssettm $0x7FFFFFFF  }
tec
execute0_lowered:
.L_overlay_start_1:
0x0: {  	(tag) =	ssettag $0x1  }
0x1: {  	s1 =	rddreg [dreg:$0x0]  }
0x2: {  	s0 =	rddreg [dreg:$0x1]  }
0x3: {  	s2 =	rddreg [dreg:$0x2];
	s3 =	srdreg.scid  }
0x4: {  	s9 =	stileid.u32;
	s18 =	simm.s32 $0x400;
	s29 =	simm.s32 $0xDC00  }
0x5: {  	s31 =	simm.s32 $0x11C00;
	s30 =	simm.s32 $0x4;
	s28 =	simm.s32 $0x5  }
0x6: {  	s6 =	sand.u32 $0x1, s3;
	s3 =	simm.s32 $0x0;
	s4 =	sshll.u32 s9, $0x8  }
0x7: {  	s26 =	sshll.u32 s9, $0xC;
	s9 =	simm.s32 $0x0;
	s5 =	sshll.u32 s6, $0x7  }
0x8: {  	[smem:$0x7FF] =	sst s3;
	s7 =	ssub.s32 $0x2, s6;
	s6 =	sshll.u32 s6, $0xB  }
0x9: {  	s4 =	sor.u32 s5, s4;
	_ =	strace $0x80000047;
	s8 =	sshrl.u32 s7, $0x1  }
0xa: {  	s5 =	sshll.u32 s4, $0x4;
	s4 =	sadd.s32 s0, s4;
	s19 =	ssub.s32 s7, s8  }
0xb: {  	s0 =	simm.s32 $0x2;
	s7 =	simm.s32 $0x6;
	s8 =	simm.s32 $0xB  }
0xc: {  	s5 =	sadd.s32 s2, s5;
	[dreg:$0x4] =	wrdreg s4;
	s4 =	sadd.s32 $0x6000, s4  }
0xd: {  	s2 =	sadd.s32 s26, s2;
	s16 =	smax.u32 s19, $0x1;
	s26 =	simm.s32 $0x9C00  }
0xe: {  	s19 =	simm.s32 $0x9;
	[dreg:$0x5] =	wrdreg s4;
	s20 =	sadd.s32 $0x10000, s5  }
0xf: {  	s21 =	sadd.s32 $0x20000, s5;
	s22 =	sadd.s32 $0x30000, s5;
	[dreg:$0x6] =	wrdreg s20  }
0x10: {  	s23 =	sadd.s32 $0x40000, s5;
	s24 =	sadd.s32 $0x2D0000, s5;
	[dreg:$0x7] =	wrdreg s21  }
0x11: {  	s25 =	sadd.s32 $0x2E0000, s5;
	s13 =	sadd.s32 $0x2F0000, s5;
	[dreg:$0x8] =	wrdreg s22  }
0x12: {  	s14 =	sadd.s32 $0x300000, s5;
	s15 =	sadd.s32 $0x310000, s5;
	[dreg:$0x9] =	wrdreg s23  }
0x13: {  	s2 =	sadd.s32 s6, s2;
	s6 =	simm.s32 $0xA;
	[dreg:$0xa] =	wrdreg s24  }
0x14: {  	[dreg:$0xb] =	wrdreg s25;
	s17 =	sadd.s32 $0x50000, s2;
	s21 =	simm.s32 $0x1  }
0x15: {  	s22 =	simm.s32 $0x80;
	s23 =	simm.s32 $0x1C00;
	s24 =	simm.s32 $0x5C00  }
0x16: {  	s2 =	simm.s32 $0x7;
	s20 =	simm.s32 $0x3;
	s25 =	simm.s32 $0x8  }
.LBB2_1:
0x17: {  	s4 =	rddreg [dreg:$0x4];
	s10 =	simm.s32 $0x8000  }
0x18: {  	[tilespmem:s3], [sflag:$0x1] =	stream.strided.gather [hbm4b:s4+s18], $0x1800, s10, s18, $0x38;
	[tilespmem:$0x15C00] =	vst v63  }
0x19: {  	s11 =	rddreg [dreg:$0x5];
	s12 =	simm.s32 $0x1800  }
0x1a: {  	[tilespmem:s12], [sflag:$0x1] =	stream.linear.gather [hbm4b:s11+s3], $0x100, $0x38;
	[tilespmem:$0x15C00] =	vst v63  }
0x1b: {  	_ =	swait.ge [sflag:s21], $0x1900  }
0x1c: {  	[sflag:s21] =	ssyncset.done $0x0  }
0x1d: {  	[sflag:s21] =	ssyncadd.s32 $0xFFFFE700  }
0x1e: {  	[tilespmem:s23], [sflag:$0x2] =	stream.indirect.gather [hbm4b:s1+s22], $0x80, s3, s22, $0xb8;
	[tilespmem:$0x15C00] =	vst v63  }
0x1f: {  	_ = 	snop  }
0x20: {  	[tilespmem:s24], [sflag:$0x3] =	stream.indirect.gather [hbm4b:s1+s22], $0x80, s22, s22, $0xb8;
	[tilespmem:$0x15C00] =	vst v63  }
0x21: {  	s10 =	simm.s32 $0x100  }
0x22: {  	[tilespmem:s26], [sflag:$0x4] =	stream.indirect.gather [hbm4b:s1+s22], $0x80, s10, s22, $0xb8;
	[tilespmem:$0x15C00] =	vst v63  }
0x23: {  	s11 =	simm.s32 $0x180  }
0x24: {  	[tilespmem:s29], [sflag:$0x5] =	stream.indirect.gather [hbm4b:s1+s22], $0x80, s11, s22, $0xb8;
	[tilespmem:$0x15C00] =	vst v63  }
0x25: {  	s12 =	simm.s32 $0x200  }
0x26: {  	[tilespmem:s31], [sflag:$0x6] =	stream.indirect.gather [hbm4b:s1+s22], $0x80, s12, s22, $0xb8;
	[tilespmem:$0x15C00] =	vst v63  }
0x27: {  	_ =	swait.ge [sflag:s0], $0x4000  }
0x28: {  	[sflag:s0] =	ssyncset.done $0x0  }
0x29: {  	[sflag:s0] =	ssyncadd.s32 $0xFFFFC000  }
0x2a: {  	[hbm4b:s5+s3] =	stream.linear.scatter [tilespmem:s23], [sflag:$0x7], $0x4000, $0x38;
	[tilespmem:$0x15C00] =	vst v63  }
0x2b: {  	_ =	swait.ge [sflag:s2], $0x4000  }
0x2c: {  	[sflag:s2] =	ssyncset.done $0x0  }
0x2d: {  	s10 =	simm.s32 $0x280;
	[sflag:s2] =	ssyncadd.s32 $0xFFFFC000  }
0x2e: {  	[tilespmem:s23], [sflag:$0x2] =	stream.indirect.gather [hbm4b:s1+s22], $0x80, s10, s22, $0xb8;
	[tilespmem:$0x15C00] =	vst v63  }
0x2f: {  	_ =	swait.ge [sflag:s20], $0x4000  }
0x30: {  	[sflag:s20] =	ssyncset.done $0x0  }
0x31: {  	s11 =	rddreg [dreg:$0x6];
	[sflag:s20] =	ssyncadd.s32 $0xFFFFC000  }
0x32: {  	[hbm4b:s11+s3] =	stream.linear.scatter [tilespmem:s24], [sflag:$0x8], $0x4000, $0x38;
	[tilespmem:$0x15C00] =	vst v63  }
0x33: {  	_ =	swait.ge [sflag:s25], $0x4000  }
0x34: {  	[sflag:s25] =	ssyncset.done $0x0  }
0x35: {  	s12 =	simm.s32 $0x300;
	[sflag:s25] =	ssyncadd.s32 $0xFFFFC000  }
0x36: {  	[tilespmem:s24], [sflag:$0x3] =	stream.indirect.gather [hbm4b:s1+s22], $0x80, s12, s22, $0xb8;
	[tilespmem:$0x15C00] =	vst v63  }
0x37: {  	_ =	swait.ge [sflag:s30], $0x4000  }
0x38: {  	[sflag:s30] =	ssyncset.done $0x0  }
0x39: {  	s10 =	rddreg [dreg:$0x7];
	[sflag:s30] =	ssyncadd.s32 $0xFFFFC000  }
0x3a: {  	[hbm4b:s10+s3] =	stream.linear.scatter [tilespmem:s26], [sflag:$0x9], $0x4000, $0x38;
	[tilespmem:$0x15C00] =	vst v63  }
0x3b: {  	_ =	swait.ge [sflag:s19], $0x4000  }
0x3c: {  	[sflag:s19] =	ssyncset.done $0x0  }
0x3d: {  	s11 =	simm.s32 $0x380;
	[sflag:s19] =	ssyncadd.s32 $0xFFFFC000  }
0x3e: {  	[tilespmem:s26], [sflag:$0x4] =	stream.indirect.gather [hbm4b:s1+s22], $0x80, s11, s22, $0xb8;
	[tilespmem:$0x15C00] =	vst v63  }
0x3f: {  	_ =	swait.ge [sflag:s28], $0x4000  }
0x40: {  	[sflag:s28] =	ssyncset.done $0x0  }
0x41: {  	s12 =	rddreg [dreg:$0x8];
	[sflag:s28] =	ssyncadd.s32 $0xFFFFC000  }
0x42: {  	[hbm4b:s12+s3] =	stream.linear.scatter [tilespmem:s29], [sflag:$0xA], $0x4000, $0x38;
	[tilespmem:$0x15C00] =	vst v63  }
0x43: {  	_ =	swait.ge [sflag:s6], $0x4000  }
0x44: {  	[sflag:s6] =	ssyncset.done $0x0  }
0x45: {  	[sflag:s6] =	ssyncadd.s32 $0xFFFFC000  }
0x46: {  	[tilespmem:s29], [sflag:$0x5] =	stream.indirect.gather [hbm4b:s1+s22], $0x80, s18, s22, $0xb8;
	[tilespmem:$0x15C00] =	vst v63  }
0x47: {  	_ =	swait.ge [sflag:s7], $0x4000  }
0x48: {  	[sflag:s7] =	ssyncset.done $0x0  }
0x49: {  	s10 =	rddreg [dreg:$0x9];
	[sflag:s7] =	ssyncadd.s32 $0xFFFFC000  }
0x4a: {  	[hbm4b:s10+s3] =	stream.linear.scatter [tilespmem:s31], [sflag:$0xB], $0x4000, $0x38;
	[tilespmem:$0x15C00] =	vst v63  }
0x4b: {  	_ =	swait.ge [sflag:s8], $0x4000  }
0x4c: {  	[sflag:s8] =	ssyncset.done $0x0  }
0x4d: {  	s11 =	simm.s32 $0x480;
	[sflag:s8] =	ssyncadd.s32 $0xFFFFC000  }
0x4e: {  	[tilespmem:s31], [sflag:$0x6] =	stream.indirect.gather [hbm4b:s1+s22], $0x80, s11, s22, $0xb8;
	[tilespmem:$0x15C00] =	vst v63  }
0x4f: {  	_ =	swait.ge [sflag:s0], $0x4000  }
0x50: {  	[sflag:s0] =	ssyncset.done $0x0  }
0x51: {  	[sflag:s0] =	ssyncadd.s32 $0xFFFFC000  }
0x52: {  	[hbm4b:s17+s3] =	stream.linear.scatter [tilespmem:s23], [sflag:$0x7], $0x4000, $0x38;
	[tilespmem:$0x15C00] =	vst v63  }
0x53: {  	_ =	swait.ge [sflag:s2], $0x4000  }
0x54: {  	[sflag:s2] =	ssyncset.done $0x0  }
0x55: {  	s12 =	simm.s32 $0x500;
	[sflag:s2] =	ssyncadd.s32 $0xFFFFC000  }
0x56: {  	[tilespmem:s23], [sflag:$0x2] =	stream.indirect.gather [hbm4b:s1+s22], $0x80, s12, s22, $0xb8;
	[tilespmem:$0x15C00] =	vst v63  }
0x57: {  	_ =	swait.ge [sflag:s20], $0x4000  }
0x58: {  	[sflag:s20] =	ssyncset.done $0x0  }
0x59: {  	s4 =	sadd.s32 $0x10000, s17;
	[sflag:s20] =	ssyncadd.s32 $0xFFFFC000  }
0x5a: {  	[hbm4b:s4+s3] =	stream.linear.scatter [tilespmem:s24], [sflag:$0x8], $0x4000, $0x38;
	[tilespmem:$0x15C00] =	vst v63  }
0x5b: {  	_ =	swait.ge [sflag:s25], $0x4000  }
0x5c: {  	[sflag:s25] =	ssyncset.done $0x0  }
0x5d: {  	s11 =	simm.s32 $0x580;
	[sflag:s25] =	ssyncadd.s32 $0xFFFFC000  }
0x5e: {  	[tilespmem:s24], [sflag:$0x3] =	stream.indirect.gather [hbm4b:s1+s22], $0x80, s11, s22, $0xb8;
	[tilespmem:$0x15C00] =	vst v63  }
0x5f: {  	_ =	swait.ge [sflag:s30], $0x4000  }
0x60: {  	[sflag:s30] =	ssyncset.done $0x0  }
0x61: {  	s12 =	sadd.s32 $0x20000, s17;
	[sflag:s30] =	ssyncadd.s32 $0xFFFFC000  }
0x62: {  	[hbm4b:s12+s3] =	stream.linear.scatter [tilespmem:s26], [sflag:$0x9], $0x4000, $0x38;
	[tilespmem:$0x15C00] =	vst v63  }
0x63: {  	_ =	swait.ge [sflag:s19], $0x4000  }
0x64: {  	[sflag:s19] =	ssyncset.done $0x0  }
0x65: {  	s4 =	simm.s32 $0x600;
	[sflag:s19] =	ssyncadd.s32 $0xFFFFC000  }
0x66: {  	[tilespmem:s26], [sflag:$0x4] =	stream.indirect.gather [hbm4b:s1+s22], $0x80, s4, s22, $0xb8;
	[tilespmem:$0x15C00] =	vst v63  }
0x67: {  	_ =	swait.ge [sflag:s28], $0x4000  }
0x68: {  	[sflag:s28] =	ssyncset.done $0x0  }
0x69: {  	s11 =	sadd.s32 $0x30000, s17;
	[sflag:s28] =	ssyncadd.s32 $0xFFFFC000  }
0x6a: {  	[hbm4b:s11+s3] =	stream.linear.scatter [tilespmem:s29], [sflag:$0xA], $0x4000, $0x38;
	[tilespmem:$0x15C00] =	vst v63  }
0x6b: {  	_ =	swait.ge [sflag:s6], $0x4000  }
0x6c: {  	[sflag:s6] =	ssyncset.done $0x0  }
0x6d: {  	s12 =	simm.s32 $0x680;
	[sflag:s6] =	ssyncadd.s32 $0xFFFFC000  }
0x6e: {  	[tilespmem:s29], [sflag:$0x5] =	stream.indirect.gather [hbm4b:s1+s22], $0x80, s12, s22, $0xb8;
	[tilespmem:$0x15C00] =	vst v63  }
0x6f: {  	_ =	swait.ge [sflag:s7], $0x4000  }
0x70: {  	s10 =	simm.s32 $0xA00;
	[sflag:s7] =	ssyncset.done $0x0  }
0x71: {  	s11 =	sadd.s32 $0x50000, s17;
	s12 =	sadd.s32 $0x40000, s17;
	[sflag:s7] =	ssyncadd.s32 $0xFFFFC000  }
.LBB2_2:
0x72: {  	[hbm4b:s12+s3] =	stream.linear.scatter [tilespmem:s31], [sflag:$0xB], $0x4000, $0x38;
	[tilespmem:$0x15C00] =	vst v63  }
0x73: {  	s12 =	smov.u32 s10  }
0x74: {  	p0 =	sne.s32 s10, $0x4600;
	s10 =	sadd.s32 $0xA00, s10;
	_ =	swait.ge [sflag:s8], $0x4000  }
0x75: {  	s12 =	sshra.s32 s12, $0x2;
	[sflag:s8] =	ssyncset.done $0x0  }
0x76: {  	s4 =	sadd.s32 $0x480, s12;
	[sflag:s8] =	ssyncadd.s32 $0xFFFFC000  }
0x77: {  	[tilespmem:s31], [sflag:$0x6] =	stream.indirect.gather [hbm4b:s1+s22], $0x80, s4, s22, $0xb8;
	[tilespmem:$0x15C00] =	vst v63  }
0x78: {  	_ =	swait.ge [sflag:s0], $0x4000  }
0x79: {  	[sflag:s0] =	ssyncset.done $0x0  }
0x7a: {  	[sflag:s0] =	ssyncadd.s32 $0xFFFFC000  }
0x7b: {  	[hbm4b:s11+s3] =	stream.linear.scatter [tilespmem:s23], [sflag:$0x7], $0x4000, $0x38;
	[tilespmem:$0x15C00] =	vst v63  }
0x7c: {  	_ =	swait.ge [sflag:s2], $0x4000  }
0x7d: {  	[sflag:s2] =	ssyncset.done $0x0  }
0x7e: {  	s4 =	sadd.s32 $0x500, s12;
	[sflag:s2] =	ssyncadd.s32 $0xFFFFC000  }
0x7f: {  	[tilespmem:s23], [sflag:$0x2] =	stream.indirect.gather [hbm4b:s1+s22], $0x80, s4, s22, $0xb8;
	[tilespmem:$0x15C00] =	vst v63  }
0x80: {  	_ =	swait.ge [sflag:s20], $0x4000  }
0x81: {  	[sflag:s20] =	ssyncset.done $0x0  }
0x82: {  	s4 =	sadd.s32 $0x10000, s11;
	[sflag:s20] =	ssyncadd.s32 $0xFFFFC000  }
0x83: {  	[hbm4b:s4+s3] =	stream.linear.scatter [tilespmem:s24], [sflag:$0x8], $0x4000, $0x38;
	[tilespmem:$0x15C00] =	vst v63  }
0x84: {  	_ =	swait.ge [sflag:s25], $0x4000  }
0x85: {  	[sflag:s25] =	ssyncset.done $0x0  }
0x86: {  	s4 =	sadd.s32 $0x580, s12;
	[sflag:s25] =	ssyncadd.s32 $0xFFFFC000  }
0x87: {  	[tilespmem:s24], [sflag:$0x3] =	stream.indirect.gather [hbm4b:s1+s22], $0x80, s4, s22, $0xb8;
	[tilespmem:$0x15C00] =	vst v63  }
0x88: {  	_ =	swait.ge [sflag:s30], $0x4000  }
0x89: {  	[sflag:s30] =	ssyncset.done $0x0  }
0x8a: {  	s4 =	sadd.s32 $0x20000, s11;
	[sflag:s30] =	ssyncadd.s32 $0xFFFFC000  }
0x8b: {  	[hbm4b:s4+s3] =	stream.linear.scatter [tilespmem:s26], [sflag:$0x9], $0x4000, $0x38;
	[tilespmem:$0x15C00] =	vst v63  }
0x8c: {  	_ =	swait.ge [sflag:s19], $0x4000  }
0x8d: {  	[sflag:s19] =	ssyncset.done $0x0  }
0x8e: {  	s4 =	sadd.s32 $0x600, s12;
	[sflag:s19] =	ssyncadd.s32 $0xFFFFC000  }
0x8f: {  	[tilespmem:s26], [sflag:$0x4] =	stream.indirect.gather [hbm4b:s1+s22], $0x80, s4, s22, $0xb8;
	[tilespmem:$0x15C00] =	vst v63  }
0x90: {  	_ =	swait.ge [sflag:s28], $0x4000  }
0x91: {  	[sflag:s28] =	ssyncset.done $0x0  }
0x92: {  	s4 =	sadd.s32 $0x30000, s11;
	[sflag:s28] =	ssyncadd.s32 $0xFFFFC000  }
0x93: {  	[hbm4b:s4+s3] =	stream.linear.scatter [tilespmem:s29], [sflag:$0xA], $0x4000, $0x38;
	[tilespmem:$0x15C00] =	vst v63  }
0x94: {  	_ =	swait.ge [sflag:s6], $0x4000  }
0x95: {  	[sflag:s6] =	ssyncset.done $0x0  }
.Ltmp0:
0x96: {  	s4 =	sadd.s32 $0x680, s12;
	[sflag:s6] =	ssyncadd.s32 $0xFFFFC000;
	(pc) =	sbr.rel @p0 .LBB2_2-.Ltmp0, $4  }
0x97: {  	[tilespmem:s29], [sflag:$0x5] =	stream.indirect.gather [hbm4b:s1+s22], $0x80, s4, s22, $0xb8;
	[tilespmem:$0x15C00] =	vst v63  }
0x98: {  	_ =	swait.ge [sflag:s7], $0x4000  }
0x99: {  	[sflag:s7] =	ssyncset.done $0x0  }
0x9a: {  	s12 =	sadd.s32 $0x40000, s11;
	s11 =	sadd.s32 $0x50000, s11;
	[sflag:s7] =	ssyncadd.s32 $0xFFFFC000  }
0x9b: {  	[hbm4b:s12+s3] =	stream.linear.scatter [tilespmem:s31], [sflag:$0xB], $0x4000, $0x38;
	[tilespmem:$0x15C00] =	vst v63  }
0x9c: {  	_ =	swait.ge [sflag:s8], $0x4000  }
0x9d: {  	[sflag:s8] =	ssyncset.done $0x0  }
0x9e: {  	s4 =	simm.s32 $0x1880;
	[sflag:s8] =	ssyncadd.s32 $0xFFFFC000  }
0x9f: {  	[tilespmem:s31], [sflag:$0x6] =	stream.indirect.gather [hbm4b:s1+s22], $0x80, s4, s22, $0xb8;
	[tilespmem:$0x15C00] =	vst v63  }
0xa0: {  	_ =	swait.ge [sflag:s0], $0x4000  }
0xa1: {  	[sflag:s0] =	ssyncset.done $0x0  }
0xa2: {  	s11 =	rddreg [dreg:$0xa];
	[sflag:s0] =	ssyncadd.s32 $0xFFFFC000  }
0xa3: {  	[hbm4b:s11+s3] =	stream.linear.scatter [tilespmem:s23], [sflag:$0x7], $0x4000, $0x38;
	[tilespmem:$0x15C00] =	vst v63  }
0xa4: {  	_ =	swait.ge [sflag:s20], $0x4000  }
0xa5: {  	[sflag:s20] =	ssyncset.done $0x0  }
0xa6: {  	s12 =	rddreg [dreg:$0xb];
	[sflag:s20] =	ssyncadd.s32 $0xFFFFC000  }
0xa7: {  	[hbm4b:s12+s3] =	stream.linear.scatter [tilespmem:s24], [sflag:$0x8], $0x4000, $0x38;
	[tilespmem:$0x15C00] =	vst v63  }
0xa8: {  	_ =	swait.ge [sflag:s30], $0x4000  }
0xa9: {  	[sflag:s30] =	ssyncset.done $0x0  }
0xaa: {  	[sflag:s30] =	ssyncadd.s32 $0xFFFFC000  }
0xab: {  	[hbm4b:s13+s3] =	stream.linear.scatter [tilespmem:s26], [sflag:$0x9], $0x4000, $0x38;
	[tilespmem:$0x15C00] =	vst v63  }
0xac: {  	_ =	swait.ge [sflag:s28], $0x4000  }
0xad: {  	[sflag:s28] =	ssyncset.done $0x0  }
0xae: {  	[sflag:s28] =	ssyncadd.s32 $0xFFFFC000  }
0xaf: {  	[hbm4b:s14+s3] =	stream.linear.scatter [tilespmem:s29], [sflag:$0xA], $0x4000, $0x38;
	[tilespmem:$0x15C00] =	vst v63  }
0xb0: {  	_ =	swait.ge [sflag:s7], $0x4000  }
0xb1: {  	[sflag:s7] =	ssyncset.done $0x0  }
0xb2: {  	[sflag:s7] =	ssyncadd.s32 $0xFFFFC000  }
0xb3: {  	[hbm4b:s15+s3] =	stream.linear.scatter [tilespmem:s31], [sflag:$0xB], $0x4000, $0x38;
	[tilespmem:$0x15C00] =	vst v63  }
0xb4: {  	_ =	swait.ge [sflag:s2], $0x4000  }
0xb5: {  	[sflag:s2] =	ssyncset.done $0x0  }
0xb6: {  	[sflag:s2] =	ssyncadd.s32 $0xFFFFC000  }
0xb7: {  	_ =	swait.ge [sflag:s25], $0x4000  }
0xb8: {  	[sflag:s25] =	ssyncset.done $0x0  }
0xb9: {  	[sflag:s25] =	ssyncadd.s32 $0xFFFFC000  }
0xba: {  	_ =	swait.ge [sflag:s19], $0x4000  }
0xbb: {  	[sflag:s19] =	ssyncset.done $0x0  }
0xbc: {  	s9 =	sadd.s32 $0x1, s9;
	[sflag:s19] =	ssyncadd.s32 $0xFFFFC000  }
0xbd: {  	p0 =	sne.s32 s9, s16;
	_ =	swait.ge [sflag:s6], $0x4000  }
.Ltmp1:
0xbe: {  	[sflag:s6] =	ssyncset.done $0x0;
	(pc) =	sbr.rel @p0 .LBB2_1-.Ltmp1, $4  }
0xbf: {  	[sflag:s6] =	ssyncadd.s32 $0xFFFFC000  }
0xc0: {  	_ =	swait.ge [sflag:s8], $0x4000  }
0xc1: {  	[sflag:s8] =	ssyncset.done $0x0  }
0xc2: {  	[sflag:s8] =	ssyncadd.s32 $0xFFFFC000  }
0xc3: {  	_ =	sfence.sel $0x180000  }
0xc4: {  	[bflag:$0x0] =	sbarrier.arrive $0xFFFF  }
0xc5: {  	_ =	strace $0x90000047  }
0xc6: {  	s0 =	stileid.u32;
	[bflag:$0x2] =	sbarrier.arrive $0xFFFF  }
0xc7: {  	p0 =	sne.s32 s0, $0x0;
	s0 =	rddreg [dreg:$0x3]  }
0xc8: {  	s0 =	sadd.s32 @!p0 $0x100000, s0  }
0xc9: {  	[sflag:s0] =	ssyncadd.tile.s32 @!p0 $0x1;
	_ =	shalt  }
.Lfunc_end2:
_tile_overlayer_lowered:
.L_overlay_start_2:
0xca: {  	(tag) =	ssettag $0x2  }
0xcb: {  	s0 =	rddreg [dreg:$0x0];
	s2 =	stileid.u32  }
0xcc: {  	s1 =	rddreg [dreg:$0x1];
	p0 =	sne.s32 s2, $0x0  }
0xcd: {  	s3 =	rddreg [dreg:$0x2];
	[bflag:$0x3] =	sbarrier.arrive $0xFFFF;
	s2 =	simm.s32 @!p0 $0x1C0C  }
0xce: {  	[timem:s3], [sflag:s2] =	dma.local @!p0 [hbm:s0], s1  }
0xcf: {  	s0 =	simm.s32 @!p0 $0xC  }
0xd0: {  	_ =	swait.ge @!p0 [sflag:s0], s1  }
0xd1: {  	s1 =	ssub.s32 @!p0 $0x0, s1;
	[sflag:s0] =	ssyncset.done @!p0 $0x0  }
0xd2: {  	[sflag:s0] =	ssyncadd.s32 @!p0 s1  }
0xd3: {  	[bflag:$0x3] =	sbarrier.arrive $0xFFFF  }
0xd4: {  	_ =	shalt  }

</sc_bundles>
